<compile_context>
chip_gen: v7x
topology: tpu7x:2x2x1
jax: 0.10.2.dev20260603
libtpu: 0.0.44.dev20260713+nightly
codegen_flags: <defaults>
</compile_context>

<pallas_src>
import functools

import jax
import jax.numpy as jnp
from jax import lax
from jax.experimental import pallas as pl
from jax.experimental.pallas import tpu as pltpu
from jax.experimental.pallas import tpu_sc as plsc

N_TABLES = 26
SPLITS = (17, 9)
DIM = 32
N_OUT = 5
NC, NS = 2, 16
NW = NC * NS
VPAD = 100352
CHUNK = 8192


def _proj_body(w_ref, t_ref, out_ref):
    res = jax.lax.dot_general(
        w_ref[...],
        t_ref[0],
        (((0,), (0,)), ((), ())),
        preferred_element_type=jnp.float32,
    )
    out_ref[0] = res.reshape(N_OUT, res.shape[1] // 128, 128)


def _tc_project(w, tables_t, j0, nj):
    dim = tables_t.shape[1]
    blk = VPAD // 2
    kb = blk // 128
    return pl.pallas_call(
        _proj_body,
        grid=(nj, 2),
        in_specs=[
            pl.BlockSpec((DIM, N_OUT), lambda j, c: (j0 + j, 0)),
            pl.BlockSpec((1, dim, blk), lambda j, c: (j0 + j, 0, c)),
        ],
        out_specs=pl.BlockSpec((1, N_OUT, kb, 128), lambda j, c: (j, 0, c, 0)),
        out_shape=jax.ShapeDtypeStruct((nj, N_OUT, VPAD // 128, 128), jnp.float32),
    )(w, tables_t)


def _lookup_body(j0, nj, idx_hbm, p_hbm, val_hbm, row_v, idx_v, val_v, sem):
    wid = lax.axis_index("s") * NC + lax.axis_index("c")
    batch = idx_hbm.shape[1]
    n_chunks = batch // CHUNK
    n_tasks = nj * N_OUT
    rounds = -(-n_tasks // NW)

    @pl.loop(0, rounds)
    def _task_loop(s):
        t = s * NW + wid

        @pl.when(t < n_tasks)
        def _():
            j = t // N_OUT
            o = lax.rem(t, N_OUT)
            pltpu.sync_copy(p_hbm.at[j, o], row_v)

            @pl.loop(0, n_chunks)
            def _chunk(c):
                pltpu.sync_copy(
                    idx_hbm.at[j0 + j, pl.ds(c * CHUNK, CHUNK)], idx_v
                )

                @pl.loop(0, CHUNK // 16, unroll=8)
                def _group(g):
                    iv = idx_v[pl.ds(g * 16, 16)]
                    val_v[g >> 3, pl.ds((g & 7) * 16, 16)] = plsc.load_gather(
                        row_v, [iv >> 7, iv & 127]
                    )

                pltpu.sync_copy(
                    val_v,
                    val_hbm.at[j, o, pl.ds(c * (CHUNK // 128), CHUNK // 128), :],
                )


def _sc_lookup(inputs, p, j0, nj):
    batch = inputs.shape[1]
    mesh = plsc.VectorSubcoreMesh(core_axis_name="c", subcore_axis_name="s")
    return pl.kernel(
        functools.partial(_lookup_body, j0, nj),
        out_type=jax.ShapeDtypeStruct((nj, N_OUT, batch // 128, 128), jnp.float32),
        mesh=mesh,
        scratch_types=[
            pltpu.VMEM((VPAD // 128, 128), jnp.float32),
            pltpu.VMEM((CHUNK,), jnp.int32),
            pltpu.VMEM((CHUNK // 128, 128), jnp.float32),
            pltpu.SemaphoreType.DMA,
        ],
        compiler_params=pltpu.CompilerParams(
            use_tc_tiling_on_sc=False, needs_layout_passes=False
        ),
    )(inputs, p)


def _reduce_body(*refs):
    val_refs, b_ref, out_ref = refs[:-2], refs[-2], refs[-1]
    nrow = val_refs[0].shape[2]
    acc = jnp.zeros((N_OUT, nrow, 128), dtype=jnp.float32)
    for vr in val_refs:
        for j in range(vr.shape[0]):
            acc = acc + vr[j]
    out_ref[...] = acc.reshape(N_OUT, nrow * 128) + b_ref[...]


def _tc_reduce(vals, b2d):
    batch = vals[0].shape[2] * 128
    blk = 4096
    in_specs = [
        pl.BlockSpec((v.shape[0], N_OUT, blk // 128, 128), lambda i: (0, 0, i, 0))
        for v in vals
    ] + [pl.BlockSpec((N_OUT, 1), lambda i: (0, 0))]
    return pl.pallas_call(
        _reduce_body,
        grid=(batch // blk,),
        in_specs=in_specs,
        out_specs=pl.BlockSpec((N_OUT, blk), lambda i: (0, i)),
        out_shape=jax.ShapeDtypeStruct((N_OUT, batch), jnp.float32),
    )(*vals, b2d)


@jax.jit
def kernel(inputs, tables, W, b):
    n, vocab, dim = tables.shape
    tables_t = jnp.transpose(tables, (0, 2, 1))
    vals = []
    j0 = 0
    for nj in SPLITS:
        p_g = _tc_project(W, tables_t, j0, nj)
        vals.append(_sc_lookup(inputs, p_g, j0, nj))
        j0 += nj
    out5 = _tc_reduce(vals, b.reshape(-1, 1))
    return out5.T

# --- scband reference (transcript-rebuilt; emitter-appended) ---
"""Pipeline reference for scband-embedding-list-model-15814069584512 (READ-ONLY COPY).

The authoritative reference and input builder live on the scoring server;
editing this copy changes nothing except your own understanding.
"""

import jax, jax.numpy as jnp
import numpy as np

N_TABLES = 26
VOCAB = 100000
DIM = 32
BATCH = 16384


def setup_inputs(seed: int = 0) -> dict:
    key = jax.random.key(seed)
    k1, k2, k3, k4 = jax.random.split(key, 4)
    inputs = jax.random.randint(k1, (N_TABLES, BATCH), 0, VOCAB, dtype=jnp.int32)
    tables = jax.random.normal(k2, (N_TABLES, VOCAB, DIM), dtype=jnp.float32) * 0.05
    W = jax.random.normal(k3, (N_TABLES * DIM, 5), dtype=jnp.float32) * 0.05
    b = jnp.zeros((5,), dtype=jnp.float32)
    return {"inputs": inputs, "tables": tables, "W": W, "b": b}


def reference(inputs, tables, W, b):
    # Per-table embedding lookup: outs[j] = tables[j][inputs[j]]  -> [N_TABLES, BATCH, DIM]
    emb = jax.vmap(lambda t, idx: jnp.take(t, idx, axis=0))(tables, inputs)
    # concat along feature axis (axis=1 in the original: [B, sum(dims)])
    out = jnp.transpose(emb, (1, 0, 2)).reshape(inputs.shape[1], -1)
    # dense(5)
    return out @ W + b

if __name__ == "__main__":
    import jax
    _d = setup_inputs()
    print(jax.jit(kernel)(*tuple(_d.values())))

</pallas_src>

<mosaic_0001>
#map = affine_map<(d0, d1) -> (0, 0)>
#map1 = affine_map<(d0, d1) -> (0, 0, 0, 0)>
module attributes {stable_mosaic.version = 14 : i64} {
  func.func @_lookup_body(%arg0: i32, %arg1: i32, %arg2: memref<26x16384xi32, #tpu.memory_space<hbm>>, %arg3: memref<9x5x784x128xf32, #tpu.memory_space<hbm>>, %arg4: memref<9x5x128x128xf32, #tpu.memory_space<hbm>>, %arg5: memref<784x128xf32, #tpu.memory_space<vmem>>, %arg6: memref<8192xi32, #tpu.memory_space<vmem>>, %arg7: memref<64x128xf32, #tpu.memory_space<vmem>>, %arg8: memref<!tpu.dma_semaphore, #tpu.memory_space<semaphore_mem>>) attributes {dimension_semantics = [#tpu.dimension_semantics<core_parallel>, #tpu.dimension_semantics<subcore_parallel>], iteration_bounds = array<i64: 2, 16>, scalar_prefetch = 0 : i64, scratch_operands = 4 : i64, tpu.core_type = #tpu.core_type<sc_vector_subcore>, window_params = [{transform_indices = #map}, {transform_indices = #map1}, {transform_indices = #map1}]} {
    %mul3A = arith.constant 2 : i32
    %mul3A_0 = arith.muli %arg1, %mul3A : i32
    %add3A = arith.addi %mul3A_0, %arg0 : i32
    %scan3A = arith.constant 0 : i32
    %scan3A_1 = arith.constant 2 : i32
    %scan3A_2 = arith.addi %scan3A, %scan3A_1 : i32
    %scan3A_3 = arith.constant 1 : i32
    scf.for %scan3A_5 = %scan3A to %scan3A_2 step %scan3A_3  : i32 {
      %mul3A_6 = arith.constant 1 : i32
      %mul3A_7 = arith.muli %scan3A_5, %mul3A_6 : i32
      %add3A_8 = arith.constant 0 : i32
      %add3A_9 = arith.addi %add3A_8, %mul3A_7 : i32
      %mul3A_10 = arith.constant 32 : i32
      %mul3A_11 = arith.muli %add3A_9, %mul3A_10 : i32
      %add3A_12 = arith.addi %mul3A_11, %add3A : i32
      %lt3A = arith.constant 45 : i32
      %lt3A_13 = arith.cmpi slt, %add3A_12, %lt3A : i32
      %convert_element_type3A = arith.extui %lt3A_13 : i1 to i32
      %cond3A = arith.constant 0 : i32
      %cond3A_14 = arith.cmpi ne, %convert_element_type3A, %cond3A : i32
      scf.if %cond3A_14 {
        %jit3A = arith.constant 5 : i32
        %div3A = arith.divsi %add3A_12, %jit3A : i32
        %sign3A = arith.constant 0 : i32
        %sign3A_15 = arith.cmpi sgt, %add3A_12, %sign3A : i32
        %sign3A_16 = arith.extui %sign3A_15 : i1 to i32
        %sign3A_17 = arith.constant 0 : i32
        %sign3A_18 = arith.cmpi slt, %add3A_12, %sign3A_17 : i32
        %sign3A_19 = arith.extui %sign3A_18 : i1 to i32
        %sign3A_20 = arith.subi %sign3A_16, %sign3A_19 : i32
        %sign3A_21 = arith.constant 0 : i32
        %sign3A_22 = arith.cmpi sgt, %jit3A, %sign3A_21 : i32
        %sign3A_23 = arith.extui %sign3A_22 : i1 to i32
        %sign3A_24 = arith.constant 0 : i32
        %sign3A_25 = arith.cmpi slt, %jit3A, %sign3A_24 : i32
        %sign3A_26 = arith.extui %sign3A_25 : i1 to i32
        %sign3A_27 = arith.subi %sign3A_23, %sign3A_26 : i32
        %ne3A = arith.cmpi ne, %sign3A_20, %sign3A_27 : i32
        %rem3A = arith.remsi %add3A_12, %jit3A : i32
        %ne3A_28 = arith.constant 0 : i32
        %ne3A_29 = arith.cmpi ne, %rem3A, %ne3A_28 : i32
        %and3A = arith.andi %ne3A, %ne3A_29 : i1
        %sub3A = arith.constant 1 : i32
        %sub3A_30 = arith.subi %div3A, %sub3A : i32
        %select_n3A = arith.select %and3A, %sub3A_30, %div3A : i32
        %rem3A_31 = arith.constant 5 : i32
        %rem3A_32 = arith.remsi %add3A_12, %rem3A_31 : i32
        "tpu.region"() ({
          %run_scoped3A = tpu.sem_alloc : memref<!tpu.dma_semaphore, #tpu.memory_space<semaphore_mem>>
          %dma_start3A = arith.constant 0 : i32
          %dma_start3A_38 = arith.constant 0 : i32
          %dma_start3A_39 = tpu.memref_slice %arg3[%select_n3A, %rem3A_32, %dma_start3A, %dma_start3A_38] : memref<9x5x784x128xf32, #tpu.memory_space<hbm>> -> memref<1x1x784x128xf32, #tpu.memory_space<hbm>>
          %dma_start3A_40 = tpu.memref_squeeze %dma_start3A_39 : memref<1x1x784x128xf32, #tpu.memory_space<hbm>> -> memref<784x128xf32, #tpu.memory_space<hbm>>
          %dma_start3A_41 = arith.constant 0 : i32
          %dma_start3A_42 = arith.constant 0 : i32
          %dma_start3A_43 = tpu.memref_slice %arg3[%select_n3A, %rem3A_32, %dma_start3A_41, %dma_start3A_42] : memref<9x5x784x128xf32, #tpu.memory_space<hbm>> -> memref<1x1x784x128xf32, #tpu.memory_space<hbm>>
          %dma_start3A_44 = tpu.memref_squeeze %dma_start3A_43 : memref<1x1x784x128xf32, #tpu.memory_space<hbm>> -> memref<784x128xf32, #tpu.memory_space<hbm>>
          tpu.enqueue_dma source(%dma_start3A_44 : memref<784x128xf32, #tpu.memory_space<hbm>>) target(%arg5 : memref<784x128xf32, #tpu.memory_space<vmem>>) target_semaphore(%run_scoped3A : memref<!tpu.dma_semaphore, #tpu.memory_space<semaphore_mem>>)
          %dma_wait3A = arith.constant 0 : i32
          %dma_wait3A_45 = arith.constant 0 : i32
          %dma_wait3A_46 = tpu.memref_slice %arg3[%select_n3A, %rem3A_32, %dma_wait3A, %dma_wait3A_45] : memref<9x5x784x128xf32, #tpu.memory_space<hbm>> -> memref<1x1x784x128xf32, #tpu.memory_space<hbm>>
          %dma_wait3A_47 = tpu.memref_squeeze %dma_wait3A_46 : memref<1x1x784x128xf32, #tpu.memory_space<hbm>> -> memref<784x128xf32, #tpu.memory_space<hbm>>
          %dma_wait3A_48 = arith.constant 0 : i32
          %dma_wait3A_49 = arith.constant 0 : i32
          %dma_wait3A_50 = tpu.memref_slice %arg3[%select_n3A, %rem3A_32, %dma_wait3A_48, %dma_wait3A_49] : memref<9x5x784x128xf32, #tpu.memory_space<hbm>> -> memref<1x1x784x128xf32, #tpu.memory_space<hbm>>
          %dma_wait3A_51 = tpu.memref_squeeze %dma_wait3A_50 : memref<1x1x784x128xf32, #tpu.memory_space<hbm>> -> memref<784x128xf32, #tpu.memory_space<hbm>>
          tpu.wait_dma2 semaphore(%run_scoped3A : memref<!tpu.dma_semaphore, #tpu.memory_space<semaphore_mem>>) src(%dma_wait3A_51 : memref<784x128xf32, #tpu.memory_space<hbm>>) dst(%arg5 : memref<784x128xf32, #tpu.memory_space<vmem>>)
          tpu.yield
        }) : () -> ()
        %scan3A_33 = arith.constant 0 : i32
        %scan3A_34 = arith.constant 2 : i32
        %scan3A_35 = arith.addi %scan3A_33, %scan3A_34 : i32
        %scan3A_36 = arith.constant 1 : i32
        scf.for %scan3A_38 = %scan3A_33 to %scan3A_35 step %scan3A_36  : i32 {
          %mul3A_39 = arith.constant 1 : i32
          %mul3A_40 = arith.muli %scan3A_38, %mul3A_39 : i32
          %add3A_41 = arith.constant 0 : i32
          %add3A_42 = arith.addi %add3A_41, %mul3A_40 : i32
          %add3A_43 = arith.constant 17 : i32
          %add3A_44 = arith.addi %add3A_43, %select_n3A : i32
          %mul3A_45 = arith.constant 8192 : i32
          %mul3A_46 = arith.muli %add3A_42, %mul3A_45 : i32
          "tpu.region"() ({
            %run_scoped3A = tpu.sem_alloc : memref<!tpu.dma_semaphore, #tpu.memory_space<semaphore_mem>>
            %dma_start3A = tpu.memref_slice %arg2[%add3A_44, %mul3A_46] : memref<26x16384xi32, #tpu.memory_space<hbm>> -> memref<1x8192xi32, #tpu.memory_space<hbm>>
            %dma_start3A_54 = tpu.memref_squeeze %dma_start3A : memref<1x8192xi32, #tpu.memory_space<hbm>> -> memref<8192xi32, #tpu.memory_space<hbm>>
            %dma_start3A_55 = tpu.memref_slice %arg2[%add3A_44, %mul3A_46] : memref<26x16384xi32, #tpu.memory_space<hbm>> -> memref<1x8192xi32, #tpu.memory_space<hbm>>
            %dma_start3A_56 = tpu.memref_squeeze %dma_start3A_55 : memref<1x8192xi32, #tpu.memory_space<hbm>> -> memref<8192xi32, #tpu.memory_space<hbm>>
            tpu.enqueue_dma source(%dma_start3A_56 : memref<8192xi32, #tpu.memory_space<hbm>>) target(%arg6 : memref<8192xi32, #tpu.memory_space<vmem>>) target_semaphore(%run_scoped3A : memref<!tpu.dma_semaphore, #tpu.memory_space<semaphore_mem>>)
            %dma_wait3A = tpu.memref_slice %arg2[%add3A_44, %mul3A_46] : memref<26x16384xi32, #tpu.memory_space<hbm>> -> memref<1x8192xi32, #tpu.memory_space<hbm>>
            %dma_wait3A_57 = tpu.memref_squeeze %dma_wait3A : memref<1x8192xi32, #tpu.memory_space<hbm>> -> memref<8192xi32, #tpu.memory_space<hbm>>
            %dma_wait3A_58 = tpu.memref_slice %arg2[%add3A_44, %mul3A_46] : memref<26x16384xi32, #tpu.memory_space<hbm>> -> memref<1x8192xi32, #tpu.memory_space<hbm>>
            %dma_wait3A_59 = tpu.memref_squeeze %dma_wait3A_58 : memref<1x8192xi32, #tpu.memory_space<hbm>> -> memref<8192xi32, #tpu.memory_space<hbm>>
            tpu.wait_dma2 semaphore(%run_scoped3A : memref<!tpu.dma_semaphore, #tpu.memory_space<semaphore_mem>>) src(%dma_wait3A_59 : memref<8192xi32, #tpu.memory_space<hbm>>) dst(%arg6 : memref<8192xi32, #tpu.memory_space<vmem>>)
            tpu.yield
          }) : () -> ()
          %scan3A_47 = arith.constant 0 : i32
          %scan3A_48 = arith.constant 512 : i32
          %scan3A_49 = arith.addi %scan3A_47, %scan3A_48 : i32
          %scan3A_50 = arith.constant 8 : i32
          scf.for %scan3A_54 = %scan3A_47 to %scan3A_49 step %scan3A_50  : i32 {
            %mul3A_55 = arith.constant 1 : i32
            %mul3A_56 = arith.muli %scan3A_54, %mul3A_55 : i32
            %add3A_57 = arith.constant 0 : i32
            %add3A_58 = arith.addi %add3A_57, %mul3A_56 : i32
            %mul3A_59 = arith.constant 16 : i32
            %mul3A_60 = arith.muli %add3A_58, %mul3A_59 : i32
            %get3A = arith.index_cast %mul3A_60 : i32 to index
            %get3A_61 = tpu.vector_load %arg6[%get3A] {strides = array<i32>} : memref<8192xi32, #tpu.memory_space<vmem>>, vector<16xi32>,
            %shift_right_arithmetic3A = arith.constant 7 : i32
            %shift_right_arithmetic3A_62 = vector.broadcast %shift_right_arithmetic3A : i32 to vector<16xi32>
            %shift_right_arithmetic3A_63 = arith.shrsi %get3A_61, %shift_right_arithmetic3A_62 : vector<16xi32>
            %and3A_64 = arith.constant 127 : i32
            %and3A_65 = vector.broadcast %and3A_64 : i32 to vector<16xi32>
            %and3A_66 = arith.andi %get3A_61, %and3A_65 : vector<16xi32>
            %gather3A = tpu.vector_load_idx %arg5[%shift_right_arithmetic3A_63, %and3A_66] : memref<784x128xf32, #tpu.memory_space<vmem>>[vector<16xi32>, vector<16xi32>], vector<16xf32>,
            %shift_right_arithmetic3A_67 = arith.constant 3 : i32
            %shift_right_arithmetic3A_68 = arith.shrsi %add3A_58, %shift_right_arithmetic3A_67 : i32
            %and3A_69 = arith.constant 7 : i32
            %and3A_70 = arith.andi %add3A_58, %and3A_69 : i32
            %mul3A_71 = arith.constant 16 : i32
            %mul3A_72 = arith.muli %and3A_70, %mul3A_71 : i32
            %swap3A = arith.index_cast %shift_right_arithmetic3A_68 : i32 to index
            %swap3A_73 = arith.index_cast %mul3A_72 : i32 to index
            %swap3A_74 = tpu.vector_load %arg7[%swap3A, %swap3A_73] {strides = array<i32>} : memref<64x128xf32, #tpu.memory_space<vmem>>, vector<16xf32>,
            tpu.vector_store %arg7[%swap3A, %swap3A_73], %gather3A {strides = array<i32>} : memref<64x128xf32, #tpu.memory_space<vmem>>, vector<16xf32>,
            %scan3A_75 = arith.constant 1 : i32
            %scan3A_76 = arith.addi %scan3A_54, %scan3A_75 : i32
            %mul3A_77 = arith.constant 1 : i32
            %mul3A_78 = arith.muli %scan3A_76, %mul3A_77 : i32
            %add3A_79 = arith.constant 0 : i32
            %add3A_80 = arith.addi %add3A_79, %mul3A_78 : i32
            %mul3A_81 = arith.constant 16 : i32
            %mul3A_82 = arith.muli %add3A_80, %mul3A_81 : i32
            %get3A_83 = arith.index_cast %mul3A_82 : i32 to index
            %get3A_84 = tpu.vector_load %arg6[%get3A_83] {strides = array<i32>} : memref<8192xi32, #tpu.memory_space<vmem>>, vector<16xi32>,
            %shift_right_arithmetic3A_85 = arith.constant 7 : i32
            %shift_right_arithmetic3A_86 = vector.broadcast %shift_right_arithmetic3A_85 : i32 to vector<16xi32>
            %shift_right_arithmetic3A_87 = arith.shrsi %get3A_84, %shift_right_arithmetic3A_86 : vector<16xi32>
            %and3A_88 = arith.constant 127 : i32
            %and3A_89 = vector.broadcast %and3A_88 : i32 to vector<16xi32>
            %and3A_90 = arith.andi %get3A_84, %and3A_89 : vector<16xi32>
            %gather3A_91 = tpu.vector_load_idx %arg5[%shift_right_arithmetic3A_87, %and3A_90] : memref<784x128xf32, #tpu.memory_space<vmem>>[vector<16xi32>, vector<16xi32>], vector<16xf32>,
            %shift_right_arithmetic3A_92 = arith.constant 3 : i32
            %shift_right_arithmetic3A_93 = arith.shrsi %add3A_80, %shift_right_arithmetic3A_92 : i32
            %and3A_94 = arith.constant 7 : i32
            %and3A_95 = arith.andi %add3A_80, %and3A_94 : i32
            %mul3A_96 = arith.constant 16 : i32
            %mul3A_97 = arith.muli %and3A_95, %mul3A_96 : i32
            %swap3A_98 = arith.index_cast %shift_right_arithmetic3A_93 : i32 to index
            %swap3A_99 = arith.index_cast %mul3A_97 : i32 to index
            %swap3A_100 = tpu.vector_load %arg7[%swap3A_98, %swap3A_99] {strides = array<i32>} : memref<64x128xf32, #tpu.memory_space<vmem>>, vector<16xf32>,
            tpu.vector_store %arg7[%swap3A_98, %swap3A_99], %gather3A_91 {strides = array<i32>} : memref<64x128xf32, #tpu.memory_space<vmem>>, vector<16xf32>,
            %scan3A_101 = arith.constant 2 : i32
            %scan3A_102 = arith.addi %scan3A_54, %scan3A_101 : i32
            %mul3A_103 = arith.constant 1 : i32
            %mul3A_104 = arith.muli %scan3A_102, %mul3A_103 : i32
            %add3A_105 = arith.constant 0 : i32
            %add3A_106 = arith.addi %add3A_105, %mul3A_104 : i32
            %mul3A_107 = arith.constant 16 : i32
            %mul3A_108 = arith.muli %add3A_106, %mul3A_107 : i32
            %get3A_109 = arith.index_cast %mul3A_108 : i32 to index
            %get3A_110 = tpu.vector_load %arg6[%get3A_109] {strides = array<i32>} : memref<8192xi32, #tpu.memory_space<vmem>>, vector<16xi32>,
            %shift_right_arithmetic3A_111 = arith.constant 7 : i32
            %shift_right_arithmetic3A_112 = vector.broadcast %shift_right_arithmetic3A_111 : i32 to vector<16xi32>
            %shift_right_arithmetic3A_113 = arith.shrsi %get3A_110, %shift_right_arithmetic3A_112 : vector<16xi32>
            %and3A_114 = arith.constant 127 : i32
            %and3A_115 = vector.broadcast %and3A_114 : i32 to vector<16xi32>
            %and3A_116 = arith.andi %get3A_110, %and3A_115 : vector<16xi32>
            %gather3A_117 = tpu.vector_load_idx %arg5[%shift_right_arithmetic3A_113, %and3A_116] : memref<784x128xf32, #tpu.memory_space<vmem>>[vector<16xi32>, vector<16xi32>], vector<16xf32>,
            %shift_right_arithmetic3A_118 = arith.constant 3 : i32
            %shift_right_arithmetic3A_119 = arith.shrsi %add3A_106, %shift_right_arithmetic3A_118 : i32
            %and3A_120 = arith.constant 7 : i32
            %and3A_121 = arith.andi %add3A_106, %and3A_120 : i32
            %mul3A_122 = arith.constant 16 : i32
            %mul3A_123 = arith.muli %and3A_121, %mul3A_122 : i32
            %swap3A_124 = arith.index_cast %shift_right_arithmetic3A_119 : i32 to index
            %swap3A_125 = arith.index_cast %mul3A_123 : i32 to index
            %swap3A_126 = tpu.vector_load %arg7[%swap3A_124, %swap3A_125] {strides = array<i32>} : memref<64x128xf32, #tpu.memory_space<vmem>>, vector<16xf32>,
            tpu.vector_store %arg7[%swap3A_124, %swap3A_125], %gather3A_117 {strides = array<i32>} : memref<64x128xf32, #tpu.memory_space<vmem>>, vector<16xf32>,
            %scan3A_127 = arith.constant 3 : i32
            %scan3A_128 = arith.addi %scan3A_54, %scan3A_127 : i32
            %mul3A_129 = arith.constant 1 : i32
            %mul3A_130 = arith.muli %scan3A_128, %mul3A_129 : i32
            %add3A_131 = arith.constant 0 : i32
            %add3A_132 = arith.addi %add3A_131, %mul3A_130 : i32
            %mul3A_133 = arith.constant 16 : i32
            %mul3A_134 = arith.muli %add3A_132, %mul3A_133 : i32
            %get3A_135 = arith.index_cast %mul3A_134 : i32 to index
            %get3A_136 = tpu.vector_load %arg6[%get3A_135] {strides = array<i32>} : memref<8192xi32, #tpu.memory_space<vmem>>, vector<16xi32>,
            %shift_right_arithmetic3A_137 = arith.constant 7 : i32
            %shift_right_arithmetic3A_138 = vector.broadcast %shift_right_arithmetic3A_137 : i32 to vector<16xi32>
            %shift_right_arithmetic3A_139 = arith.shrsi %get3A_136, %shift_right_arithmetic3A_138 : vector<16xi32>
            %and3A_140 = arith.constant 127 : i32
            %and3A_141 = vector.broadcast %and3A_140 : i32 to vector<16xi32>
            %and3A_142 = arith.andi %get3A_136, %and3A_141 : vector<16xi32>
            %gather3A_143 = tpu.vector_load_idx %arg5[%shift_right_arithmetic3A_139, %and3A_142] : memref<784x128xf32, #tpu.memory_space<vmem>>[vector<16xi32>, vector<16xi32>], vector<16xf32>,
            %shift_right_arithmetic3A_144 = arith.constant 3 : i32
            %shift_right_arithmetic3A_145 = arith.shrsi %add3A_132, %shift_right_arithmetic3A_144 : i32
            %and3A_146 = arith.constant 7 : i32
            %and3A_147 = arith.andi %add3A_132, %and3A_146 : i32
            %mul3A_148 = arith.constant 16 : i32
            %mul3A_149 = arith.muli %and3A_147, %mul3A_148 : i32
            %swap3A_150 = arith.index_cast %shift_right_arithmetic3A_145 : i32 to index
            %swap3A_151 = arith.index_cast %mul3A_149 : i32 to index
            %swap3A_152 = tpu.vector_load %arg7[%swap3A_150, %swap3A_151] {strides = array<i32>} : memref<64x128xf32, #tpu.memory_space<vmem>>, vector<16xf32>,
            tpu.vector_store %arg7[%swap3A_150, %swap3A_151], %gather3A_143 {strides = array<i32>} : memref<64x128xf32, #tpu.memory_space<vmem>>, vector<16xf32>,
            %scan3A_153 = arith.constant 4 : i32
            %scan3A_154 = arith.addi %scan3A_54, %scan3A_153 : i32
            %mul3A_155 = arith.constant 1 : i32
            %mul3A_156 = arith.muli %scan3A_154, %mul3A_155 : i32
            %add3A_157 = arith.constant 0 : i32
            %add3A_158 = arith.addi %add3A_157, %mul3A_156 : i32
            %mul3A_159 = arith.constant 16 : i32
            %mul3A_160 = arith.muli %add3A_158, %mul3A_159 : i32
            %get3A_161 = arith.index_cast %mul3A_160 : i32 to index
            %get3A_162 = tpu.vector_load %arg6[%get3A_161] {strides = array<i32>} : memref<8192xi32, #tpu.memory_space<vmem>>, vector<16xi32>,
            %shift_right_arithmetic3A_163 = arith.constant 7 : i32
            %shift_right_arithmetic3A_164 = vector.broadcast %shift_right_arithmetic3A_163 : i32 to vector<16xi32>
            %shift_right_arithmetic3A_165 = arith.shrsi %get3A_162, %shift_right_arithmetic3A_164 : vector<16xi32>
            %and3A_166 = arith.constant 127 : i32
            %and3A_167 = vector.broadcast %and3A_166 : i32 to vector<16xi32>
            %and3A_168 = arith.andi %get3A_162, %and3A_167 : vector<16xi32>
            %gather3A_169 = tpu.vector_load_idx %arg5[%shift_right_arithmetic3A_165, %and3A_168] : memref<784x128xf32, #tpu.memory_space<vmem>>[vector<16xi32>, vector<16xi32>], vector<16xf32>,
            %shift_right_arithmetic3A_170 = arith.constant 3 : i32
            %shift_right_arithmetic3A_171 = arith.shrsi %add3A_158, %shift_right_arithmetic3A_170 : i32
            %and3A_172 = arith.constant 7 : i32
            %and3A_173 = arith.andi %add3A_158, %and3A_172 : i32
            %mul3A_174 = arith.constant 16 : i32
            %mul3A_175 = arith.muli %and3A_173, %mul3A_174 : i32
            %swap3A_176 = arith.index_cast %shift_right_arithmetic3A_171 : i32 to index
            %swap3A_177 = arith.index_cast %mul3A_175 : i32 to index
            %swap3A_178 = tpu.vector_load %arg7[%swap3A_176, %swap3A_177] {strides = array<i32>} : memref<64x128xf32, #tpu.memory_space<vmem>>, vector<16xf32>,
            tpu.vector_store %arg7[%swap3A_176, %swap3A_177], %gather3A_169 {strides = array<i32>} : memref<64x128xf32, #tpu.memory_space<vmem>>, vector<16xf32>,
            %scan3A_179 = arith.constant 5 : i32
            %scan3A_180 = arith.addi %scan3A_54, %scan3A_179 : i32
            %mul3A_181 = arith.constant 1 : i32
            %mul3A_182 = arith.muli %scan3A_180, %mul3A_181 : i32
            %add3A_183 = arith.constant 0 : i32
            %add3A_184 = arith.addi %add3A_183, %mul3A_182 : i32
            %mul3A_185 = arith.constant 16 : i32
            %mul3A_186 = arith.muli %add3A_184, %mul3A_185 : i32
            %get3A_187 = arith.index_cast %mul3A_186 : i32 to index
            %get3A_188 = tpu.vector_load %arg6[%get3A_187] {strides = array<i32>} : memref<8192xi32, #tpu.memory_space<vmem>>, vector<16xi32>,
            %shift_right_arithmetic3A_189 = arith.constant 7 : i32
            %shift_right_arithmetic3A_190 = vector.broadcast %shift_right_arithmetic3A_189 : i32 to vector<16xi32>
            %shift_right_arithmetic3A_191 = arith.shrsi %get3A_188, %shift_right_arithmetic3A_190 : vector<16xi32>
            %and3A_192 = arith.constant 127 : i32
            %and3A_193 = vector.broadcast %and3A_192 : i32 to vector<16xi32>
            %and3A_194 = arith.andi %get3A_188, %and3A_193 : vector<16xi32>
            %gather3A_195 = tpu.vector_load_idx %arg5[%shift_right_arithmetic3A_191, %and3A_194] : memref<784x128xf32, #tpu.memory_space<vmem>>[vector<16xi32>, vector<16xi32>], vector<16xf32>,
            %shift_right_arithmetic3A_196 = arith.constant 3 : i32
            %shift_right_arithmetic3A_197 = arith.shrsi %add3A_184, %shift_right_arithmetic3A_196 : i32
            %and3A_198 = arith.constant 7 : i32
            %and3A_199 = arith.andi %add3A_184, %and3A_198 : i32
            %mul3A_200 = arith.constant 16 : i32
            %mul3A_201 = arith.muli %and3A_199, %mul3A_200 : i32
            %swap3A_202 = arith.index_cast %shift_right_arithmetic3A_197 : i32 to index
            %swap3A_203 = arith.index_cast %mul3A_201 : i32 to index
            %swap3A_204 = tpu.vector_load %arg7[%swap3A_202, %swap3A_203] {strides = array<i32>} : memref<64x128xf32, #tpu.memory_space<vmem>>, vector<16xf32>,
            tpu.vector_store %arg7[%swap3A_202, %swap3A_203], %gather3A_195 {strides = array<i32>} : memref<64x128xf32, #tpu.memory_space<vmem>>, vector<16xf32>,
            %scan3A_205 = arith.constant 6 : i32
            %scan3A_206 = arith.addi %scan3A_54, %scan3A_205 : i32
            %mul3A_207 = arith.constant 1 : i32
            %mul3A_208 = arith.muli %scan3A_206, %mul3A_207 : i32
            %add3A_209 = arith.constant 0 : i32
            %add3A_210 = arith.addi %add3A_209, %mul3A_208 : i32
            %mul3A_211 = arith.constant 16 : i32
            %mul3A_212 = arith.muli %add3A_210, %mul3A_211 : i32
            %get3A_213 = arith.index_cast %mul3A_212 : i32 to index
            %get3A_214 = tpu.vector_load %arg6[%get3A_213] {strides = array<i32>} : memref<8192xi32, #tpu.memory_space<vmem>>, vector<16xi32>,
            %shift_right_arithmetic3A_215 = arith.constant 7 : i32
            %shift_right_arithmetic3A_216 = vector.broadcast %shift_right_arithmetic3A_215 : i32 to vector<16xi32>
            %shift_right_arithmetic3A_217 = arith.shrsi %get3A_214, %shift_right_arithmetic3A_216 : vector<16xi32>
            %and3A_218 = arith.constant 127 : i32
            %and3A_219 = vector.broadcast %and3A_218 : i32 to vector<16xi32>
            %and3A_220 = arith.andi %get3A_214, %and3A_219 : vector<16xi32>
            %gather3A_221 = tpu.vector_load_idx %arg5[%shift_right_arithmetic3A_217, %and3A_220] : memref<784x128xf32, #tpu.memory_space<vmem>>[vector<16xi32>, vector<16xi32>], vector<16xf32>,
            %shift_right_arithmetic3A_222 = arith.constant 3 : i32
            %shift_right_arithmetic3A_223 = arith.shrsi %add3A_210, %shift_right_arithmetic3A_222 : i32
            %and3A_224 = arith.constant 7 : i32
            %and3A_225 = arith.andi %add3A_210, %and3A_224 : i32
            %mul3A_226 = arith.constant 16 : i32
            %mul3A_227 = arith.muli %and3A_225, %mul3A_226 : i32
            %swap3A_228 = arith.index_cast %shift_right_arithmetic3A_223 : i32 to index
            %swap3A_229 = arith.index_cast %mul3A_227 : i32 to index
            %swap3A_230 = tpu.vector_load %arg7[%swap3A_228, %swap3A_229] {strides = array<i32>} : memref<64x128xf32, #tpu.memory_space<vmem>>, vector<16xf32>,
            tpu.vector_store %arg7[%swap3A_228, %swap3A_229], %gather3A_221 {strides = array<i32>} : memref<64x128xf32, #tpu.memory_space<vmem>>, vector<16xf32>,
            %scan3A_231 = arith.constant 7 : i32
            %scan3A_232 = arith.addi %scan3A_54, %scan3A_231 : i32
            %mul3A_233 = arith.constant 1 : i32
            %mul3A_234 = arith.muli %scan3A_232, %mul3A_233 : i32
            %add3A_235 = arith.constant 0 : i32
            %add3A_236 = arith.addi %add3A_235, %mul3A_234 : i32
            %mul3A_237 = arith.constant 16 : i32
            %mul3A_238 = arith.muli %add3A_236, %mul3A_237 : i32
            %get3A_239 = arith.index_cast %mul3A_238 : i32 to index
            %get3A_240 = tpu.vector_load %arg6[%get3A_239] {strides = array<i32>} : memref<8192xi32, #tpu.memory_space<vmem>>, vector<16xi32>,
            %shift_right_arithmetic3A_241 = arith.constant 7 : i32
            %shift_right_arithmetic3A_242 = vector.broadcast %shift_right_arithmetic3A_241 : i32 to vector<16xi32>
            %shift_right_arithmetic3A_243 = arith.shrsi %get3A_240, %shift_right_arithmetic3A_242 : vector<16xi32>
            %and3A_244 = arith.constant 127 : i32
            %and3A_245 = vector.broadcast %and3A_244 : i32 to vector<16xi32>
            %and3A_246 = arith.andi %get3A_240, %and3A_245 : vector<16xi32>
            %gather3A_247 = tpu.vector_load_idx %arg5[%shift_right_arithmetic3A_243, %and3A_246] : memref<784x128xf32, #tpu.memory_space<vmem>>[vector<16xi32>, vector<16xi32>], vector<16xf32>,
            %shift_right_arithmetic3A_248 = arith.constant 3 : i32
            %shift_right_arithmetic3A_249 = arith.shrsi %add3A_236, %shift_right_arithmetic3A_248 : i32
            %and3A_250 = arith.constant 7 : i32
            %and3A_251 = arith.andi %add3A_236, %and3A_250 : i32
            %mul3A_252 = arith.constant 16 : i32
            %mul3A_253 = arith.muli %and3A_251, %mul3A_252 : i32
            %swap3A_254 = arith.index_cast %shift_right_arithmetic3A_249 : i32 to index
            %swap3A_255 = arith.index_cast %mul3A_253 : i32 to index
            %swap3A_256 = tpu.vector_load %arg7[%swap3A_254, %swap3A_255] {strides = array<i32>} : memref<64x128xf32, #tpu.memory_space<vmem>>, vector<16xf32>,
            tpu.vector_store %arg7[%swap3A_254, %swap3A_255], %gather3A_247 {strides = array<i32>} : memref<64x128xf32, #tpu.memory_space<vmem>>, vector<16xf32>,
          }
          %scan3A_51 = arith.constant 512 : i32
          %mul3A_52 = arith.constant 64 : i32
          %mul3A_53 = arith.muli %add3A_42, %mul3A_52 : i32
          "tpu.region"() ({
            %run_scoped3A = tpu.sem_alloc : memref<!tpu.dma_semaphore, #tpu.memory_space<semaphore_mem>>
            %dma_start3A = arith.constant 0 : i32
            %dma_start3A_54 = tpu.memref_slice %arg4[%select_n3A, %rem3A_32, %mul3A_53, %dma_start3A] : memref<9x5x128x128xf32, #tpu.memory_space<hbm>> -> memref<1x1x64x128xf32, #tpu.memory_space<hbm>>
            %dma_start3A_55 = tpu.memref_squeeze %dma_start3A_54 : memref<1x1x64x128xf32, #tpu.memory_space<hbm>> -> memref<64x128xf32, #tpu.memory_space<hbm>>
            %dma_start3A_56 = arith.constant 0 : i32
            %dma_start3A_57 = tpu.memref_slice %arg4[%select_n3A, %rem3A_32, %mul3A_53, %dma_start3A_56] : memref<9x5x128x128xf32, #tpu.memory_space<hbm>> -> memref<1x1x64x128xf32, #tpu.memory_space<hbm>>
            %dma_start3A_58 = tpu.memref_squeeze %dma_start3A_57 : memref<1x1x64x128xf32, #tpu.memory_space<hbm>> -> memref<64x128xf32, #tpu.memory_space<hbm>>
            tpu.enqueue_dma source(%arg7 : memref<64x128xf32, #tpu.memory_space<vmem>>) target(%dma_start3A_58 : memref<64x128xf32, #tpu.memory_space<hbm>>) target_semaphore(%run_scoped3A : memref<!tpu.dma_semaphore, #tpu.memory_space<semaphore_mem>>)
            %dma_wait3A = arith.constant 0 : i32
            %dma_wait3A_59 = tpu.memref_slice %arg4[%select_n3A, %rem3A_32, %mul3A_53, %dma_wait3A] : memref<9x5x128x128xf32, #tpu.memory_space<hbm>> -> memref<1x1x64x128xf32, #tpu.memory_space<hbm>>
            %dma_wait3A_60 = tpu.memref_squeeze %dma_wait3A_59 : memref<1x1x64x128xf32, #tpu.memory_space<hbm>> -> memref<64x128xf32, #tpu.memory_space<hbm>>
            %dma_wait3A_61 = arith.constant 0 : i32
            %dma_wait3A_62 = tpu.memref_slice %arg4[%select_n3A, %rem3A_32, %mul3A_53, %dma_wait3A_61] : memref<9x5x128x128xf32, #tpu.memory_space<hbm>> -> memref<1x1x64x128xf32, #tpu.memory_space<hbm>>
            %dma_wait3A_63 = tpu.memref_squeeze %dma_wait3A_62 : memref<1x1x64x128xf32, #tpu.memory_space<hbm>> -> memref<64x128xf32, #tpu.memory_space<hbm>>
            tpu.wait_dma2 semaphore(%run_scoped3A : memref<!tpu.dma_semaphore, #tpu.memory_space<semaphore_mem>>) src(%arg7 : memref<64x128xf32, #tpu.memory_space<vmem>>) dst(%dma_wait3A_63 : memref<64x128xf32, #tpu.memory_space<hbm>>)
            tpu.yield
          }) : () -> ()
        }
        %scan3A_37 = arith.constant 2 : i32
      } else {
      }
    }
    %scan3A_4 = arith.constant 2 : i32
    return
  }
}

#map = affine_map<(d0, d1) -> (0, 0)>
#map1 = affine_map<(d0, d1) -> (0, 0, 0, 0)>
module attributes {stable_mosaic.version = 14 : i64} {
  func.func @_lookup_body(%arg0: i32, %arg1: i32, %arg2: memref<26x16384xi32, #tpu.memory_space<hbm>>, %arg3: memref<17x5x784x128xf32, #tpu.memory_space<hbm>>, %arg4: memref<17x5x128x128xf32, #tpu.memory_space<hbm>>, %arg5: memref<784x128xf32, #tpu.memory_space<vmem>>, %arg6: memref<8192xi32, #tpu.memory_space<vmem>>, %arg7: memref<64x128xf32, #tpu.memory_space<vmem>>, %arg8: memref<!tpu.dma_semaphore, #tpu.memory_space<semaphore_mem>>) attributes {dimension_semantics = [#tpu.dimension_semantics<core_parallel>, #tpu.dimension_semantics<subcore_parallel>], iteration_bounds = array<i64: 2, 16>, scalar_prefetch = 0 : i64, scratch_operands = 4 : i64, tpu.core_type = #tpu.core_type<sc_vector_subcore>, window_params = [{transform_indices = #map}, {transform_indices = #map1}, {transform_indices = #map1}]} {
    %mul3A = arith.constant 2 : i32
    %mul3A_0 = arith.muli %arg1, %mul3A : i32
    %add3A = arith.addi %mul3A_0, %arg0 : i32
    %scan3A = arith.constant 0 : i32
    %scan3A_1 = arith.constant 3 : i32
    %scan3A_2 = arith.addi %scan3A, %scan3A_1 : i32
    %scan3A_3 = arith.constant 1 : i32
    scf.for %scan3A_5 = %scan3A to %scan3A_2 step %scan3A_3  : i32 {
      %mul3A_6 = arith.constant 1 : i32
      %mul3A_7 = arith.muli %scan3A_5, %mul3A_6 : i32
      %add3A_8 = arith.constant 0 : i32
      %add3A_9 = arith.addi %add3A_8, %mul3A_7 : i32
      %mul3A_10 = arith.constant 32 : i32
      %mul3A_11 = arith.muli %add3A_9, %mul3A_10 : i32
      %add3A_12 = arith.addi %mul3A_11, %add3A : i32
      %lt3A = arith.constant 85 : i32
      %lt3A_13 = arith.cmpi slt, %add3A_12, %lt3A : i32
      %convert_element_type3A = arith.extui %lt3A_13 : i1 to i32
      %cond3A = arith.constant 0 : i32
      %cond3A_14 = arith.cmpi ne, %convert_element_type3A, %cond3A : i32
      scf.if %cond3A_14 {
        %jit3A = arith.constant 5 : i32
        %div3A = arith.divsi %add3A_12, %jit3A : i32
        %sign3A = arith.constant 0 : i32
        %sign3A_15 = arith.cmpi sgt, %add3A_12, %sign3A : i32
        %sign3A_16 = arith.extui %sign3A_15 : i1 to i32
        %sign3A_17 = arith.constant 0 : i32
        %sign3A_18 = arith.cmpi slt, %add3A_12, %sign3A_17 : i32
        %sign3A_19 = arith.extui %sign3A_18 : i1 to i32
        %sign3A_20 = arith.subi %sign3A_16, %sign3A_19 : i32
        %sign3A_21 = arith.constant 0 : i32
        %sign3A_22 = arith.cmpi sgt, %jit3A, %sign3A_21 : i32
        %sign3A_23 = arith.extui %sign3A_22 : i1 to i32
        %sign3A_24 = arith.constant 0 : i32
        %sign3A_25 = arith.cmpi slt, %jit3A, %sign3A_24 : i32
        %sign3A_26 = arith.extui %sign3A_25 : i1 to i32
        %sign3A_27 = arith.subi %sign3A_23, %sign3A_26 : i32
        %ne3A = arith.cmpi ne, %sign3A_20, %sign3A_27 : i32
        %rem3A = arith.remsi %add3A_12, %jit3A : i32
        %ne3A_28 = arith.constant 0 : i32
        %ne3A_29 = arith.cmpi ne, %rem3A, %ne3A_28 : i32
        %and3A = arith.andi %ne3A, %ne3A_29 : i1
        %sub3A = arith.constant 1 : i32
        %sub3A_30 = arith.subi %div3A, %sub3A : i32
        %select_n3A = arith.select %and3A, %sub3A_30, %div3A : i32
        %rem3A_31 = arith.constant 5 : i32
        %rem3A_32 = arith.remsi %add3A_12, %rem3A_31 : i32
        "tpu.region"() ({
          %run_scoped3A = tpu.sem_alloc : memref<!tpu.dma_semaphore, #tpu.memory_space<semaphore_mem>>
          %dma_start3A = arith.constant 0 : i32
          %dma_start3A_38 = arith.constant 0 : i32
          %dma_start3A_39 = tpu.memref_slice %arg3[%select_n3A, %rem3A_32, %dma_start3A, %dma_start3A_38] : memref<17x5x784x128xf32, #tpu.memory_space<hbm>> -> memref<1x1x784x128xf32, #tpu.memory_space<hbm>>
          %dma_start3A_40 = tpu.memref_squeeze %dma_start3A_39 : memref<1x1x784x128xf32, #tpu.memory_space<hbm>> -> memref<784x128xf32, #tpu.memory_space<hbm>>
          %dma_start3A_41 = arith.constant 0 : i32
          %dma_start3A_42 = arith.constant 0 : i32
          %dma_start3A_43 = tpu.memref_slice %arg3[%select_n3A, %rem3A_32, %dma_start3A_41, %dma_start3A_42] : memref<17x5x784x128xf32, #tpu.memory_space<hbm>> -> memref<1x1x784x128xf32, #tpu.memory_space<hbm>>
          %dma_start3A_44 = tpu.memref_squeeze %dma_start3A_43 : memref<1x1x784x128xf32, #tpu.memory_space<hbm>> -> memref<784x128xf32, #tpu.memory_space<hbm>>
          tpu.enqueue_dma source(%dma_start3A_44 : memref<784x128xf32, #tpu.memory_space<hbm>>) target(%arg5 : memref<784x128xf32, #tpu.memory_space<vmem>>) target_semaphore(%run_scoped3A : memref<!tpu.dma_semaphore, #tpu.memory_space<semaphore_mem>>)
          %dma_wait3A = arith.constant 0 : i32
          %dma_wait3A_45 = arith.constant 0 : i32
          %dma_wait3A_46 = tpu.memref_slice %arg3[%select_n3A, %rem3A_32, %dma_wait3A, %dma_wait3A_45] : memref<17x5x784x128xf32, #tpu.memory_space<hbm>> -> memref<1x1x784x128xf32, #tpu.memory_space<hbm>>
          %dma_wait3A_47 = tpu.memref_squeeze %dma_wait3A_46 : memref<1x1x784x128xf32, #tpu.memory_space<hbm>> -> memref<784x128xf32, #tpu.memory_space<hbm>>
          %dma_wait3A_48 = arith.constant 0 : i32
          %dma_wait3A_49 = arith.constant 0 : i32
          %dma_wait3A_50 = tpu.memref_slice %arg3[%select_n3A, %rem3A_32, %dma_wait3A_48, %dma_wait3A_49] : memref<17x5x784x128xf32, #tpu.memory_space<hbm>> -> memref<1x1x784x128xf32, #tpu.memory_space<hbm>>
          %dma_wait3A_51 = tpu.memref_squeeze %dma_wait3A_50 : memref<1x1x784x128xf32, #tpu.memory_space<hbm>> -> memref<784x128xf32, #tpu.memory_space<hbm>>
          tpu.wait_dma2 semaphore(%run_scoped3A : memref<!tpu.dma_semaphore, #tpu.memory_space<semaphore_mem>>) src(%dma_wait3A_51 : memref<784x128xf32, #tpu.memory_space<hbm>>) dst(%arg5 : memref<784x128xf32, #tpu.memory_space<vmem>>)
          tpu.yield
        }) : () -> ()
        %scan3A_33 = arith.constant 0 : i32
        %scan3A_34 = arith.constant 2 : i32
        %scan3A_35 = arith.addi %scan3A_33, %scan3A_34 : i32
        %scan3A_36 = arith.constant 1 : i32
        scf.for %scan3A_38 = %scan3A_33 to %scan3A_35 step %scan3A_36  : i32 {
          %mul3A_39 = arith.constant 1 : i32
          %mul3A_40 = arith.muli %scan3A_38, %mul3A_39 : i32
          %add3A_41 = arith.constant 0 : i32
          %add3A_42 = arith.addi %add3A_41, %mul3A_40 : i32
          %add3A_43 = arith.constant 0 : i32
          %add3A_44 = arith.addi %add3A_43, %select_n3A : i32
          %mul3A_45 = arith.constant 8192 : i32
          %mul3A_46 = arith.muli %add3A_42, %mul3A_45 : i32
          "tpu.region"() ({
            %run_scoped3A = tpu.sem_alloc : memref<!tpu.dma_semaphore, #tpu.memory_space<semaphore_mem>>
            %dma_start3A = tpu.memref_slice %arg2[%add3A_44, %mul3A_46] : memref<26x16384xi32, #tpu.memory_space<hbm>> -> memref<1x8192xi32, #tpu.memory_space<hbm>>
            %dma_start3A_54 = tpu.memref_squeeze %dma_start3A : memref<1x8192xi32, #tpu.memory_space<hbm>> -> memref<8192xi32, #tpu.memory_space<hbm>>
            %dma_start3A_55 = tpu.memref_slice %arg2[%add3A_44, %mul3A_46] : memref<26x16384xi32, #tpu.memory_space<hbm>> -> memref<1x8192xi32, #tpu.memory_space<hbm>>
            %dma_start3A_56 = tpu.memref_squeeze %dma_start3A_55 : memref<1x8192xi32, #tpu.memory_space<hbm>> -> memref<8192xi32, #tpu.memory_space<hbm>>
            tpu.enqueue_dma source(%dma_start3A_56 : memref<8192xi32, #tpu.memory_space<hbm>>) target(%arg6 : memref<8192xi32, #tpu.memory_space<vmem>>) target_semaphore(%run_scoped3A : memref<!tpu.dma_semaphore, #tpu.memory_space<semaphore_mem>>)
            %dma_wait3A = tpu.memref_slice %arg2[%add3A_44, %mul3A_46] : memref<26x16384xi32, #tpu.memory_space<hbm>> -> memref<1x8192xi32, #tpu.memory_space<hbm>>
            %dma_wait3A_57 = tpu.memref_squeeze %dma_wait3A : memref<1x8192xi32, #tpu.memory_space<hbm>> -> memref<8192xi32, #tpu.memory_space<hbm>>
            %dma_wait3A_58 = tpu.memref_slice %arg2[%add3A_44, %mul3A_46] : memref<26x16384xi32, #tpu.memory_space<hbm>> -> memref<1x8192xi32, #tpu.memory_space<hbm>>
            %dma_wait3A_59 = tpu.memref_squeeze %dma_wait3A_58 : memref<1x8192xi32, #tpu.memory_space<hbm>> -> memref<8192xi32, #tpu.memory_space<hbm>>
            tpu.wait_dma2 semaphore(%run_scoped3A : memref<!tpu.dma_semaphore, #tpu.memory_space<semaphore_mem>>) src(%dma_wait3A_59 : memref<8192xi32, #tpu.memory_space<hbm>>) dst(%arg6 : memref<8192xi32, #tpu.memory_space<vmem>>)
            tpu.yield
          }) : () -> ()
          %scan3A_47 = arith.constant 0 : i32
          %scan3A_48 = arith.constant 512 : i32
          %scan3A_49 = arith.addi %scan3A_47, %scan3A_48 : i32
          %scan3A_50 = arith.constant 8 : i32
          scf.for %scan3A_54 = %scan3A_47 to %scan3A_49 step %scan3A_50  : i32 {
            %mul3A_55 = arith.constant 1 : i32
            %mul3A_56 = arith.muli %scan3A_54, %mul3A_55 : i32
            %add3A_57 = arith.constant 0 : i32
            %add3A_58 = arith.addi %add3A_57, %mul3A_56 : i32
            %mul3A_59 = arith.constant 16 : i32
            %mul3A_60 = arith.muli %add3A_58, %mul3A_59 : i32
            %get3A = arith.index_cast %mul3A_60 : i32 to index
            %get3A_61 = tpu.vector_load %arg6[%get3A] {strides = array<i32>} : memref<8192xi32, #tpu.memory_space<vmem>>, vector<16xi32>,
            %shift_right_arithmetic3A = arith.constant 7 : i32
            %shift_right_arithmetic3A_62 = vector.broadcast %shift_right_arithmetic3A : i32 to vector<16xi32>
            %shift_right_arithmetic3A_63 = arith.shrsi %get3A_61, %shift_right_arithmetic3A_62 : vector<16xi32>
            %and3A_64 = arith.constant 127 : i32
            %and3A_65 = vector.broadcast %and3A_64 : i32 to vector<16xi32>
            %and3A_66 = arith.andi %get3A_61, %and3A_65 : vector<16xi32>
            %gather3A = tpu.vector_load_idx %arg5[%shift_right_arithmetic3A_63, %and3A_66] : memref<784x128xf32, #tpu.memory_space<vmem>>[vector<16xi32>, vector<16xi32>], vector<16xf32>,
            %shift_right_arithmetic3A_67 = arith.constant 3 : i32
            %shift_right_arithmetic3A_68 = arith.shrsi %add3A_58, %shift_right_arithmetic3A_67 : i32
            %and3A_69 = arith.constant 7 : i32
            %and3A_70 = arith.andi %add3A_58, %and3A_69 : i32
            %mul3A_71 = arith.constant 16 : i32
            %mul3A_72 = arith.muli %and3A_70, %mul3A_71 : i32
            %swap3A = arith.index_cast %shift_right_arithmetic3A_68 : i32 to index
            %swap3A_73 = arith.index_cast %mul3A_72 : i32 to index
            %swap3A_74 = tpu.vector_load %arg7[%swap3A, %swap3A_73] {strides = array<i32>} : memref<64x128xf32, #tpu.memory_space<vmem>>, vector<16xf32>,
            tpu.vector_store %arg7[%swap3A, %swap3A_73], %gather3A {strides = array<i32>} : memref<64x128xf32, #tpu.memory_space<vmem>>, vector<16xf32>,
            %scan3A_75 = arith.constant 1 : i32
            %scan3A_76 = arith.addi %scan3A_54, %scan3A_75 : i32
            %mul3A_77 = arith.constant 1 : i32
            %mul3A_78 = arith.muli %scan3A_76, %mul3A_77 : i32
            %add3A_79 = arith.constant 0 : i32
            %add3A_80 = arith.addi %add3A_79, %mul3A_78 : i32
            %mul3A_81 = arith.constant 16 : i32
            %mul3A_82 = arith.muli %add3A_80, %mul3A_81 : i32
            %get3A_83 = arith.index_cast %mul3A_82 : i32 to index
            %get3A_84 = tpu.vector_load %arg6[%get3A_83] {strides = array<i32>} : memref<8192xi32, #tpu.memory_space<vmem>>, vector<16xi32>,
            %shift_right_arithmetic3A_85 = arith.constant 7 : i32
            %shift_right_arithmetic3A_86 = vector.broadcast %shift_right_arithmetic3A_85 : i32 to vector<16xi32>
            %shift_right_arithmetic3A_87 = arith.shrsi %get3A_84, %shift_right_arithmetic3A_86 : vector<16xi32>
            %and3A_88 = arith.constant 127 : i32
            %and3A_89 = vector.broadcast %and3A_88 : i32 to vector<16xi32>
            %and3A_90 = arith.andi %get3A_84, %and3A_89 : vector<16xi32>
            %gather3A_91 = tpu.vector_load_idx %arg5[%shift_right_arithmetic3A_87, %and3A_90] : memref<784x128xf32, #tpu.memory_space<vmem>>[vector<16xi32>, vector<16xi32>], vector<16xf32>,
            %shift_right_arithmetic3A_92 = arith.constant 3 : i32
            %shift_right_arithmetic3A_93 = arith.shrsi %add3A_80, %shift_right_arithmetic3A_92 : i32
            %and3A_94 = arith.constant 7 : i32
            %and3A_95 = arith.andi %add3A_80, %and3A_94 : i32
            %mul3A_96 = arith.constant 16 : i32
            %mul3A_97 = arith.muli %and3A_95, %mul3A_96 : i32
            %swap3A_98 = arith.index_cast %shift_right_arithmetic3A_93 : i32 to index
            %swap3A_99 = arith.index_cast %mul3A_97 : i32 to index
            %swap3A_100 = tpu.vector_load %arg7[%swap3A_98, %swap3A_99] {strides = array<i32>} : memref<64x128xf32, #tpu.memory_space<vmem>>, vector<16xf32>,
            tpu.vector_store %arg7[%swap3A_98, %swap3A_99], %gather3A_91 {strides = array<i32>} : memref<64x128xf32, #tpu.memory_space<vmem>>, vector<16xf32>,
            %scan3A_101 = arith.constant 2 : i32
            %scan3A_102 = arith.addi %scan3A_54, %scan3A_101 : i32
            %mul3A_103 = arith.constant 1 : i32
            %mul3A_104 = arith.muli %scan3A_102, %mul3A_103 : i32
            %add3A_105 = arith.constant 0 : i32
            %add3A_106 = arith.addi %add3A_105, %mul3A_104 : i32
            %mul3A_107 = arith.constant 16 : i32
            %mul3A_108 = arith.muli %add3A_106, %mul3A_107 : i32
            %get3A_109 = arith.index_cast %mul3A_108 : i32 to index
            %get3A_110 = tpu.vector_load %arg6[%get3A_109] {strides = array<i32>} : memref<8192xi32, #tpu.memory_space<vmem>>, vector<16xi32>,
            %shift_right_arithmetic3A_111 = arith.constant 7 : i32
            %shift_right_arithmetic3A_112 = vector.broadcast %shift_right_arithmetic3A_111 : i32 to vector<16xi32>
            %shift_right_arithmetic3A_113 = arith.shrsi %get3A_110, %shift_right_arithmetic3A_112 : vector<16xi32>
            %and3A_114 = arith.constant 127 : i32
            %and3A_115 = vector.broadcast %and3A_114 : i32 to vector<16xi32>
            %and3A_116 = arith.andi %get3A_110, %and3A_115 : vector<16xi32>
            %gather3A_117 = tpu.vector_load_idx %arg5[%shift_right_arithmetic3A_113, %and3A_116] : memref<784x128xf32, #tpu.memory_space<vmem>>[vector<16xi32>, vector<16xi32>], vector<16xf32>,
            %shift_right_arithmetic3A_118 = arith.constant 3 : i32
            %shift_right_arithmetic3A_119 = arith.shrsi %add3A_106, %shift_right_arithmetic3A_118 : i32
            %and3A_120 = arith.constant 7 : i32
            %and3A_121 = arith.andi %add3A_106, %and3A_120 : i32
            %mul3A_122 = arith.constant 16 : i32
            %mul3A_123 = arith.muli %and3A_121, %mul3A_122 : i32
            %swap3A_124 = arith.index_cast %shift_right_arithmetic3A_119 : i32 to index
            %swap3A_125 = arith.index_cast %mul3A_123 : i32 to index
            %swap3A_126 = tpu.vector_load %arg7[%swap3A_124, %swap3A_125] {strides = array<i32>} : memref<64x128xf32, #tpu.memory_space<vmem>>, vector<16xf32>,
            tpu.vector_store %arg7[%swap3A_124, %swap3A_125], %gather3A_117 {strides = array<i32>} : memref<64x128xf32, #tpu.memory_space<vmem>>, vector<16xf32>,
            %scan3A_127 = arith.constant 3 : i32
            %scan3A_128 = arith.addi %scan3A_54, %scan3A_127 : i32
            %mul3A_129 = arith.constant 1 : i32
            %mul3A_130 = arith.muli %scan3A_128, %mul3A_129 : i32
            %add3A_131 = arith.constant 0 : i32
            %add3A_132 = arith.addi %add3A_131, %mul3A_130 : i32
            %mul3A_133 = arith.constant 16 : i32
            %mul3A_134 = arith.muli %add3A_132, %mul3A_133 : i32
            %get3A_135 = arith.index_cast %mul3A_134 : i32 to index
            %get3A_136 = tpu.vector_load %arg6[%get3A_135] {strides = array<i32>} : memref<8192xi32, #tpu.memory_space<vmem>>, vector<16xi32>,
            %shift_right_arithmetic3A_137 = arith.constant 7 : i32
            %shift_right_arithmetic3A_138 = vector.broadcast %shift_right_arithmetic3A_137 : i32 to vector<16xi32>
            %shift_right_arithmetic3A_139 = arith.shrsi %get3A_136, %shift_right_arithmetic3A_138 : vector<16xi32>
            %and3A_140 = arith.constant 127 : i32
            %and3A_141 = vector.broadcast %and3A_140 : i32 to vector<16xi32>
            %and3A_142 = arith.andi %get3A_136, %and3A_141 : vector<16xi32>
            %gather3A_143 = tpu.vector_load_idx %arg5[%shift_right_arithmetic3A_139, %and3A_142] : memref<784x128xf32, #tpu.memory_space<vmem>>[vector<16xi32>, vector<16xi32>], vector<16xf32>,
            %shift_right_arithmetic3A_144 = arith.constant 3 : i32
            %shift_right_arithmetic3A_145 = arith.shrsi %add3A_132, %shift_right_arithmetic3A_144 : i32
            %and3A_146 = arith.constant 7 : i32
            %and3A_147 = arith.andi %add3A_132, %and3A_146 : i32
            %mul3A_148 = arith.constant 16 : i32
            %mul3A_149 = arith.muli %and3A_147, %mul3A_148 : i32
            %swap3A_150 = arith.index_cast %shift_right_arithmetic3A_145 : i32 to index
            %swap3A_151 = arith.index_cast %mul3A_149 : i32 to index
            %swap3A_152 = tpu.vector_load %arg7[%swap3A_150, %swap3A_151] {strides = array<i32>} : memref<64x128xf32, #tpu.memory_space<vmem>>, vector<16xf32>,
            tpu.vector_store %arg7[%swap3A_150, %swap3A_151], %gather3A_143 {strides = array<i32>} : memref<64x128xf32, #tpu.memory_space<vmem>>, vector<16xf32>,
            %scan3A_153 = arith.constant 4 : i32
            %scan3A_154 = arith.addi %scan3A_54, %scan3A_153 : i32
            %mul3A_155 = arith.constant 1 : i32
            %mul3A_156 = arith.muli %scan3A_154, %mul3A_155 : i32
            %add3A_157 = arith.constant 0 : i32
            %add3A_158 = arith.addi %add3A_157, %mul3A_156 : i32
            %mul3A_159 = arith.constant 16 : i32
            %mul3A_160 = arith.muli %add3A_158, %mul3A_159 : i32
            %get3A_161 = arith.index_cast %mul3A_160 : i32 to index
            %get3A_162 = tpu.vector_load %arg6[%get3A_161] {strides = array<i32>} : memref<8192xi32, #tpu.memory_space<vmem>>, vector<16xi32>,
            %shift_right_arithmetic3A_163 = arith.constant 7 : i32
            %shift_right_arithmetic3A_164 = vector.broadcast %shift_right_arithmetic3A_163 : i32 to vector<16xi32>
            %shift_right_arithmetic3A_165 = arith.shrsi %get3A_162, %shift_right_arithmetic3A_164 : vector<16xi32>
            %and3A_166 = arith.constant 127 : i32
            %and3A_167 = vector.broadcast %and3A_166 : i32 to vector<16xi32>
            %and3A_168 = arith.andi %get3A_162, %and3A_167 : vector<16xi32>
            %gather3A_169 = tpu.vector_load_idx %arg5[%shift_right_arithmetic3A_165, %and3A_168] : memref<784x128xf32, #tpu.memory_space<vmem>>[vector<16xi32>, vector<16xi32>], vector<16xf32>,
            %shift_right_arithmetic3A_170 = arith.constant 3 : i32
            %shift_right_arithmetic3A_171 = arith.shrsi %add3A_158, %shift_right_arithmetic3A_170 : i32
            %and3A_172 = arith.constant 7 : i32
            %and3A_173 = arith.andi %add3A_158, %and3A_172 : i32
            %mul3A_174 = arith.constant 16 : i32
            %mul3A_175 = arith.muli %and3A_173, %mul3A_174 : i32
            %swap3A_176 = arith.index_cast %shift_right_arithmetic3A_171 : i32 to index
            %swap3A_177 = arith.index_cast %mul3A_175 : i32 to index
            %swap3A_178 = tpu.vector_load %arg7[%swap3A_176, %swap3A_177] {strides = array<i32>} : memref<64x128xf32, #tpu.memory_space<vmem>>, vector<16xf32>,
            tpu.vector_store %arg7[%swap3A_176, %swap3A_177], %gather3A_169 {strides = array<i32>} : memref<64x128xf32, #tpu.memory_space<vmem>>, vector<16xf32>,
            %scan3A_179 = arith.constant 5 : i32
            %scan3A_180 = arith.addi %scan3A_54, %scan3A_179 : i32
            %mul3A_181 = arith.constant 1 : i32
            %mul3A_182 = arith.muli %scan3A_180, %mul3A_181 : i32
            %add3A_183 = arith.constant 0 : i32
            %add3A_184 = arith.addi %add3A_183, %mul3A_182 : i32
            %mul3A_185 = arith.constant 16 : i32
            %mul3A_186 = arith.muli %add3A_184, %mul3A_185 : i32
            %get3A_187 = arith.index_cast %mul3A_186 : i32 to index
            %get3A_188 = tpu.vector_load %arg6[%get3A_187] {strides = array<i32>} : memref<8192xi32, #tpu.memory_space<vmem>>, vector<16xi32>,
            %shift_right_arithmetic3A_189 = arith.constant 7 : i32
            %shift_right_arithmetic3A_190 = vector.broadcast %shift_right_arithmetic3A_189 : i32 to vector<16xi32>
            %shift_right_arithmetic3A_191 = arith.shrsi %get3A_188, %shift_right_arithmetic3A_190 : vector<16xi32>
            %and3A_192 = arith.constant 127 : i32
            %and3A_193 = vector.broadcast %and3A_192 : i32 to vector<16xi32>
            %and3A_194 = arith.andi %get3A_188, %and3A_193 : vector<16xi32>
            %gather3A_195 = tpu.vector_load_idx %arg5[%shift_right_arithmetic3A_191, %and3A_194] : memref<784x128xf32, #tpu.memory_space<vmem>>[vector<16xi32>, vector<16xi32>], vector<16xf32>,
            %shift_right_arithmetic3A_196 = arith.constant 3 : i32
            %shift_right_arithmetic3A_197 = arith.shrsi %add3A_184, %shift_right_arithmetic3A_196 : i32
            %and3A_198 = arith.constant 7 : i32
            %and3A_199 = arith.andi %add3A_184, %and3A_198 : i32
            %mul3A_200 = arith.constant 16 : i32
            %mul3A_201 = arith.muli %and3A_199, %mul3A_200 : i32
            %swap3A_202 = arith.index_cast %shift_right_arithmetic3A_197 : i32 to index
            %swap3A_203 = arith.index_cast %mul3A_201 : i32 to index
            %swap3A_204 = tpu.vector_load %arg7[%swap3A_202, %swap3A_203] {strides = array<i32>} : memref<64x128xf32, #tpu.memory_space<vmem>>, vector<16xf32>,
            tpu.vector_store %arg7[%swap3A_202, %swap3A_203], %gather3A_195 {strides = array<i32>} : memref<64x128xf32, #tpu.memory_space<vmem>>, vector<16xf32>,
            %scan3A_205 = arith.constant 6 : i32
            %scan3A_206 = arith.addi %scan3A_54, %scan3A_205 : i32
            %mul3A_207 = arith.constant 1 : i32
            %mul3A_208 = arith.muli %scan3A_206, %mul3A_207 : i32
            %add3A_209 = arith.constant 0 : i32
            %add3A_210 = arith.addi %add3A_209, %mul3A_208 : i32
            %mul3A_211 = arith.constant 16 : i32
            %mul3A_212 = arith.muli %add3A_210, %mul3A_211 : i32
            %get3A_213 = arith.index_cast %mul3A_212 : i32 to index
            %get3A_214 = tpu.vector_load %arg6[%get3A_213] {strides = array<i32>} : memref<8192xi32, #tpu.memory_space<vmem>>, vector<16xi32>,
            %shift_right_arithmetic3A_215 = arith.constant 7 : i32
            %shift_right_arithmetic3A_216 = vector.broadcast %shift_right_arithmetic3A_215 : i32 to vector<16xi32>
            %shift_right_arithmetic3A_217 = arith.shrsi %get3A_214, %shift_right_arithmetic3A_216 : vector<16xi32>
            %and3A_218 = arith.constant 127 : i32
            %and3A_219 = vector.broadcast %and3A_218 : i32 to vector<16xi32>
            %and3A_220 = arith.andi %get3A_214, %and3A_219 : vector<16xi32>
            %gather3A_221 = tpu.vector_load_idx %arg5[%shift_right_arithmetic3A_217, %and3A_220] : memref<784x128xf32, #tpu.memory_space<vmem>>[vector<16xi32>, vector<16xi32>], vector<16xf32>,
            %shift_right_arithmetic3A_222 = arith.constant 3 : i32
            %shift_right_arithmetic3A_223 = arith.shrsi %add3A_210, %shift_right_arithmetic3A_222 : i32
            %and3A_224 = arith.constant 7 : i32
            %and3A_225 = arith.andi %add3A_210, %and3A_224 : i32
            %mul3A_226 = arith.constant 16 : i32
            %mul3A_227 = arith.muli %and3A_225, %mul3A_226 : i32
            %swap3A_228 = arith.index_cast %shift_right_arithmetic3A_223 : i32 to index
            %swap3A_229 = arith.index_cast %mul3A_227 : i32 to index
            %swap3A_230 = tpu.vector_load %arg7[%swap3A_228, %swap3A_229] {strides = array<i32>} : memref<64x128xf32, #tpu.memory_space<vmem>>, vector<16xf32>,
            tpu.vector_store %arg7[%swap3A_228, %swap3A_229], %gather3A_221 {strides = array<i32>} : memref<64x128xf32, #tpu.memory_space<vmem>>, vector<16xf32>,
            %scan3A_231 = arith.constant 7 : i32
            %scan3A_232 = arith.addi %scan3A_54, %scan3A_231 : i32
            %mul3A_233 = arith.constant 1 : i32
            %mul3A_234 = arith.muli %scan3A_232, %mul3A_233 : i32
            %add3A_235 = arith.constant 0 : i32
            %add3A_236 = arith.addi %add3A_235, %mul3A_234 : i32
            %mul3A_237 = arith.constant 16 : i32
            %mul3A_238 = arith.muli %add3A_236, %mul3A_237 : i32
            %get3A_239 = arith.index_cast %mul3A_238 : i32 to index
            %get3A_240 = tpu.vector_load %arg6[%get3A_239] {strides = array<i32>} : memref<8192xi32, #tpu.memory_space<vmem>>, vector<16xi32>,
            %shift_right_arithmetic3A_241 = arith.constant 7 : i32
            %shift_right_arithmetic3A_242 = vector.broadcast %shift_right_arithmetic3A_241 : i32 to vector<16xi32>
            %shift_right_arithmetic3A_243 = arith.shrsi %get3A_240, %shift_right_arithmetic3A_242 : vector<16xi32>
            %and3A_244 = arith.constant 127 : i32
            %and3A_245 = vector.broadcast %and3A_244 : i32 to vector<16xi32>
            %and3A_246 = arith.andi %get3A_240, %and3A_245 : vector<16xi32>
            %gather3A_247 = tpu.vector_load_idx %arg5[%shift_right_arithmetic3A_243, %and3A_246] : memref<784x128xf32, #tpu.memory_space<vmem>>[vector<16xi32>, vector<16xi32>], vector<16xf32>,
            %shift_right_arithmetic3A_248 = arith.constant 3 : i32
            %shift_right_arithmetic3A_249 = arith.shrsi %add3A_236, %shift_right_arithmetic3A_248 : i32
            %and3A_250 = arith.constant 7 : i32
            %and3A_251 = arith.andi %add3A_236, %and3A_250 : i32
            %mul3A_252 = arith.constant 16 : i32
            %mul3A_253 = arith.muli %and3A_251, %mul3A_252 : i32
            %swap3A_254 = arith.index_cast %shift_right_arithmetic3A_249 : i32 to index
            %swap3A_255 = arith.index_cast %mul3A_253 : i32 to index
            %swap3A_256 = tpu.vector_load %arg7[%swap3A_254, %swap3A_255] {strides = array<i32>} : memref<64x128xf32, #tpu.memory_space<vmem>>, vector<16xf32>,
            tpu.vector_store %arg7[%swap3A_254, %swap3A_255], %gather3A_247 {strides = array<i32>} : memref<64x128xf32, #tpu.memory_space<vmem>>, vector<16xf32>,
          }
          %scan3A_51 = arith.constant 512 : i32
          %mul3A_52 = arith.constant 64 : i32
          %mul3A_53 = arith.muli %add3A_42, %mul3A_52 : i32
          "tpu.region"() ({
            %run_scoped3A = tpu.sem_alloc : memref<!tpu.dma_semaphore, #tpu.memory_space<semaphore_mem>>
            %dma_start3A = arith.constant 0 : i32
            %dma_start3A_54 = tpu.memref_slice %arg4[%select_n3A, %rem3A_32, %mul3A_53, %dma_start3A] : memref<17x5x128x128xf32, #tpu.memory_space<hbm>> -> memref<1x1x64x128xf32, #tpu.memory_space<hbm>>
            %dma_start3A_55 = tpu.memref_squeeze %dma_start3A_54 : memref<1x1x64x128xf32, #tpu.memory_space<hbm>> -> memref<64x128xf32, #tpu.memory_space<hbm>>
            %dma_start3A_56 = arith.constant 0 : i32
            %dma_start3A_57 = tpu.memref_slice %arg4[%select_n3A, %rem3A_32, %mul3A_53, %dma_start3A_56] : memref<17x5x128x128xf32, #tpu.memory_space<hbm>> -> memref<1x1x64x128xf32, #tpu.memory_space<hbm>>
            %dma_start3A_58 = tpu.memref_squeeze %dma_start3A_57 : memref<1x1x64x128xf32, #tpu.memory_space<hbm>> -> memref<64x128xf32, #tpu.memory_space<hbm>>
            tpu.enqueue_dma source(%arg7 : memref<64x128xf32, #tpu.memory_space<vmem>>) target(%dma_start3A_58 : memref<64x128xf32, #tpu.memory_space<hbm>>) target_semaphore(%run_scoped3A : memref<!tpu.dma_semaphore, #tpu.memory_space<semaphore_mem>>)
            %dma_wait3A = arith.constant 0 : i32
            %dma_wait3A_59 = tpu.memref_slice %arg4[%select_n3A, %rem3A_32, %mul3A_53, %dma_wait3A] : memref<17x5x128x128xf32, #tpu.memory_space<hbm>> -> memref<1x1x64x128xf32, #tpu.memory_space<hbm>>
            %dma_wait3A_60 = tpu.memref_squeeze %dma_wait3A_59 : memref<1x1x64x128xf32, #tpu.memory_space<hbm>> -> memref<64x128xf32, #tpu.memory_space<hbm>>
            %dma_wait3A_61 = arith.constant 0 : i32
            %dma_wait3A_62 = tpu.memref_slice %arg4[%select_n3A, %rem3A_32, %mul3A_53, %dma_wait3A_61] : memref<17x5x128x128xf32, #tpu.memory_space<hbm>> -> memref<1x1x64x128xf32, #tpu.memory_space<hbm>>
            %dma_wait3A_63 = tpu.memref_squeeze %dma_wait3A_62 : memref<1x1x64x128xf32, #tpu.memory_space<hbm>> -> memref<64x128xf32, #tpu.memory_space<hbm>>
            tpu.wait_dma2 semaphore(%run_scoped3A : memref<!tpu.dma_semaphore, #tpu.memory_space<semaphore_mem>>) src(%arg7 : memref<64x128xf32, #tpu.memory_space<vmem>>) dst(%dma_wait3A_63 : memref<64x128xf32, #tpu.memory_space<hbm>>)
            tpu.yield
          }) : () -> ()
        }
        %scan3A_37 = arith.constant 2 : i32
      } else {
      }
    }
    %scan3A_4 = arith.constant 3 : i32
    return
  }
}

module attributes {stable_mosaic.version = 14 : i64} {
  func.func @_proj_body(%arg0: i32, %arg1: i32, %arg2: memref<32x5xf32, #tpu.memory_space<vmem>>, %arg3: memref<1x32x50176xf32, #tpu.memory_space<vmem>>, %arg4: memref<1x5x392x128xf32, #tpu.memory_space<vmem>>) attributes {dimension_semantics = [#tpu.dimension_semantics<arbitrary>, #tpu.dimension_semantics<arbitrary>], iteration_bounds = array<i64: 17, 2>, scalar_prefetch = 0 : i64, scratch_operands = 0 : i64, tpu.core_type = #tpu.core_type<tc>, window_params = [{transform_indices = @transform_0, window_bounds = array<i64: 32, 5>}, {transform_indices = @transform_1, window_bounds = array<i64: 1, 32, 50176>}, {transform_indices = @transform_2, window_bounds = array<i64: 1, 5, 392, 128>}]} {
    %get3A = arith.constant 0 : index
    %get3A_0 = arith.constant 0 : index
    %get3A_1 = vector.load %arg2[%get3A, %get3A_0] : memref<32x5xf32, #tpu.memory_space<vmem>>, vector<32x5xf32>
    %get3A_2 = arith.constant 0 : index
    %get3A_3 = arith.constant 0 : index
    %get3A_4 = arith.constant 0 : index
    %get3A_5 = vector.load %arg3[%get3A_2, %get3A_3, %get3A_4] : memref<1x32x50176xf32, #tpu.memory_space<vmem>>, vector<1x32x50176xf32>
    %get3A_6 = vector.shape_cast %get3A_5 : vector<1x32x50176xf32> to vector<32x50176xf32>
    %dot_general3A = arith.constant dense<0.000000e+00> : vector<5x50176xf32>
    %dot_general3A_7 = tpu.matmul %get3A_1, %get3A_6, %dot_general3A {dimension_numbers = #tpu.dot_dimension_numbers<[0], [0], [1], [1], [0, 1, 1, 1], [], []>, transpose_lhs_hint = false} : vector<32x5xf32>, vector<32x50176xf32>, vector<5x50176xf32> -> vector<5x50176xf32>
    %reshape3A = vector.shape_cast %dot_general3A_7 : vector<5x50176xf32> to vector<5x392x128xf32>
    %swap3A = arith.constant 0 : index
    %swap3A_8 = arith.constant 0 : index
    %swap3A_9 = arith.constant 0 : index
    %swap3A_10 = arith.constant 0 : index
    %swap3A_11 = vector.load %arg4[%swap3A, %swap3A_8, %swap3A_9, %swap3A_10] : memref<1x5x392x128xf32, #tpu.memory_space<vmem>>, vector<1x5x392x128xf32>
    %swap3A_12 = vector.shape_cast %swap3A_11 : vector<1x5x392x128xf32> to vector<5x392x128xf32>
    %swap3A_13 = vector.shape_cast %reshape3A : vector<5x392x128xf32> to vector<1x5x392x128xf32>
    tpu.vector_store %arg4[%swap3A, %swap3A_8, %swap3A_9, %swap3A_10], %swap3A_13 {strides = array<i32>} : memref<1x5x392x128xf32, #tpu.memory_space<vmem>>, vector<1x5x392x128xf32>,
    return
  }
  func.func @transform_0(%arg0: i32, %arg1: i32) -> (i32, i32) {
    %add3A = arith.constant 0 : i32
    %add3A_0 = arith.addi %add3A, %arg0 : i32
    %c0_i32 = arith.constant 0 : i32
    %c0_i32_1 = arith.constant 0 : i32
    return %add3A_0, %c0_i32 : i32, i32
  }
  func.func @transform_1(%arg0: i32, %arg1: i32) -> (i32, i32, i32) {
    %add3A = arith.constant 0 : i32
    %add3A_0 = arith.addi %add3A, %arg0 : i32
    %c0_i32 = arith.constant 0 : i32
    %c0_i32_1 = arith.constant 0 : i32
    return %add3A_0, %c0_i32, %arg1 : i32, i32, i32
  }
  func.func @transform_2(%arg0: i32, %arg1: i32) -> (i32, i32, i32, i32) {
    %c0_i32 = arith.constant 0 : i32
    %c0_i32_0 = arith.constant 0 : i32
    %c0_i32_1 = arith.constant 0 : i32
    return %arg0, %c0_i32, %arg1, %c0_i32_0 : i32, i32, i32, i32
  }
}

module attributes {stable_mosaic.version = 14 : i64} {
  func.func @_proj_body(%arg0: i32, %arg1: i32, %arg2: memref<32x5xf32, #tpu.memory_space<vmem>>, %arg3: memref<1x32x50176xf32, #tpu.memory_space<vmem>>, %arg4: memref<1x5x392x128xf32, #tpu.memory_space<vmem>>) attributes {dimension_semantics = [#tpu.dimension_semantics<arbitrary>, #tpu.dimension_semantics<arbitrary>], iteration_bounds = array<i64: 9, 2>, scalar_prefetch = 0 : i64, scratch_operands = 0 : i64, tpu.core_type = #tpu.core_type<tc>, window_params = [{transform_indices = @transform_0, window_bounds = array<i64: 32, 5>}, {transform_indices = @transform_1, window_bounds = array<i64: 1, 32, 50176>}, {transform_indices = @transform_2, window_bounds = array<i64: 1, 5, 392, 128>}]} {
    %get3A = arith.constant 0 : index
    %get3A_0 = arith.constant 0 : index
    %get3A_1 = vector.load %arg2[%get3A, %get3A_0] : memref<32x5xf32, #tpu.memory_space<vmem>>, vector<32x5xf32>
    %get3A_2 = arith.constant 0 : index
    %get3A_3 = arith.constant 0 : index
    %get3A_4 = arith.constant 0 : index
    %get3A_5 = vector.load %arg3[%get3A_2, %get3A_3, %get3A_4] : memref<1x32x50176xf32, #tpu.memory_space<vmem>>, vector<1x32x50176xf32>
    %get3A_6 = vector.shape_cast %get3A_5 : vector<1x32x50176xf32> to vector<32x50176xf32>
    %dot_general3A = arith.constant dense<0.000000e+00> : vector<5x50176xf32>
    %dot_general3A_7 = tpu.matmul %get3A_1, %get3A_6, %dot_general3A {dimension_numbers = #tpu.dot_dimension_numbers<[0], [0], [1], [1], [0, 1, 1, 1], [], []>, transpose_lhs_hint = false} : vector<32x5xf32>, vector<32x50176xf32>, vector<5x50176xf32> -> vector<5x50176xf32>
    %reshape3A = vector.shape_cast %dot_general3A_7 : vector<5x50176xf32> to vector<5x392x128xf32>
    %swap3A = arith.constant 0 : index
    %swap3A_8 = arith.constant 0 : index
    %swap3A_9 = arith.constant 0 : index
    %swap3A_10 = arith.constant 0 : index
    %swap3A_11 = vector.load %arg4[%swap3A, %swap3A_8, %swap3A_9, %swap3A_10] : memref<1x5x392x128xf32, #tpu.memory_space<vmem>>, vector<1x5x392x128xf32>
    %swap3A_12 = vector.shape_cast %swap3A_11 : vector<1x5x392x128xf32> to vector<5x392x128xf32>
    %swap3A_13 = vector.shape_cast %reshape3A : vector<5x392x128xf32> to vector<1x5x392x128xf32>
    tpu.vector_store %arg4[%swap3A, %swap3A_8, %swap3A_9, %swap3A_10], %swap3A_13 {strides = array<i32>} : memref<1x5x392x128xf32, #tpu.memory_space<vmem>>, vector<1x5x392x128xf32>,
    return
  }
  func.func @transform_0(%arg0: i32, %arg1: i32) -> (i32, i32) {
    %add3A = arith.constant 17 : i32
    %add3A_0 = arith.addi %add3A, %arg0 : i32
    %c0_i32 = arith.constant 0 : i32
    %c0_i32_1 = arith.constant 0 : i32
    return %add3A_0, %c0_i32 : i32, i32
  }
  func.func @transform_1(%arg0: i32, %arg1: i32) -> (i32, i32, i32) {
    %add3A = arith.constant 17 : i32
    %add3A_0 = arith.addi %add3A, %arg0 : i32
    %c0_i32 = arith.constant 0 : i32
    %c0_i32_1 = arith.constant 0 : i32
    return %add3A_0, %c0_i32, %arg1 : i32, i32, i32
  }
  func.func @transform_2(%arg0: i32, %arg1: i32) -> (i32, i32, i32, i32) {
    %c0_i32 = arith.constant 0 : i32
    %c0_i32_0 = arith.constant 0 : i32
    %c0_i32_1 = arith.constant 0 : i32
    return %arg0, %c0_i32, %arg1, %c0_i32_0 : i32, i32, i32, i32
  }
}

module attributes {stable_mosaic.version = 14 : i64} {
  func.func @_reduce_body(%arg0: i32, %arg1: memref<17x5x32x128xf32, #tpu.memory_space<vmem>>, %arg2: memref<9x5x32x128xf32, #tpu.memory_space<vmem>>, %arg3: memref<5x1xf32, #tpu.memory_space<vmem>>, %arg4: memref<5x4096xf32, #tpu.memory_space<vmem>>) attributes {dimension_semantics = [#tpu.dimension_semantics<arbitrary>], iteration_bounds = array<i64: 4>, scalar_prefetch = 0 : i64, scratch_operands = 0 : i64, tpu.core_type = #tpu.core_type<tc>, window_params = [{transform_indices = @transform_0, window_bounds = array<i64: 17, 5, 32, 128>}, {transform_indices = @transform_1, window_bounds = array<i64: 9, 5, 32, 128>}, {pipeline_mode = #tpu.pipeline_mode<synchronous>, transform_indices = @transform_2, window_bounds = array<i64: 5, 1>}, {transform_indices = @transform_3, window_bounds = array<i64: 5, 4096>}]} {
    %broadcast_in_dim3A = arith.constant 0.000000e+00 : f32
    %broadcast_in_dim3A_0 = vector.broadcast %broadcast_in_dim3A : f32 to vector<5x32x128xf32>
    %get3A = arith.constant 0 : index
    %get3A_1 = arith.constant 0 : index
    %get3A_2 = arith.constant 0 : index
    %get3A_3 = arith.constant 0 : index
    %get3A_4 = vector.load %arg1[%get3A, %get3A_1, %get3A_2, %get3A_3] : memref<17x5x32x128xf32, #tpu.memory_space<vmem>>, vector<1x5x32x128xf32>
    %get3A_5 = vector.shape_cast %get3A_4 : vector<1x5x32x128xf32> to vector<5x32x128xf32>
    %add3A = arith.addf %broadcast_in_dim3A_0, %get3A_5 : vector<5x32x128xf32>
    %get3A_6 = arith.constant 1 : index
    %get3A_7 = arith.constant 0 : index
    %get3A_8 = arith.constant 0 : index
    %get3A_9 = arith.constant 0 : index
    %get3A_10 = vector.load %arg1[%get3A_6, %get3A_7, %get3A_8, %get3A_9] : memref<17x5x32x128xf32, #tpu.memory_space<vmem>>, vector<1x5x32x128xf32>
    %get3A_11 = vector.shape_cast %get3A_10 : vector<1x5x32x128xf32> to vector<5x32x128xf32>
    %add3A_12 = arith.addf %add3A, %get3A_11 : vector<5x32x128xf32>
    %get3A_13 = arith.constant 2 : index
    %get3A_14 = arith.constant 0 : index
    %get3A_15 = arith.constant 0 : index
    %get3A_16 = arith.constant 0 : index
    %get3A_17 = vector.load %arg1[%get3A_13, %get3A_14, %get3A_15, %get3A_16] : memref<17x5x32x128xf32, #tpu.memory_space<vmem>>, vector<1x5x32x128xf32>
    %get3A_18 = vector.shape_cast %get3A_17 : vector<1x5x32x128xf32> to vector<5x32x128xf32>
    %add3A_19 = arith.addf %add3A_12, %get3A_18 : vector<5x32x128xf32>
    %get3A_20 = arith.constant 3 : index
    %get3A_21 = arith.constant 0 : index
    %get3A_22 = arith.constant 0 : index
    %get3A_23 = arith.constant 0 : index
    %get3A_24 = vector.load %arg1[%get3A_20, %get3A_21, %get3A_22, %get3A_23] : memref<17x5x32x128xf32, #tpu.memory_space<vmem>>, vector<1x5x32x128xf32>
    %get3A_25 = vector.shape_cast %get3A_24 : vector<1x5x32x128xf32> to vector<5x32x128xf32>
    %add3A_26 = arith.addf %add3A_19, %get3A_25 : vector<5x32x128xf32>
    %get3A_27 = arith.constant 4 : index
    %get3A_28 = arith.constant 0 : index
    %get3A_29 = arith.constant 0 : index
    %get3A_30 = arith.constant 0 : index
    %get3A_31 = vector.load %arg1[%get3A_27, %get3A_28, %get3A_29, %get3A_30] : memref<17x5x32x128xf32, #tpu.memory_space<vmem>>, vector<1x5x32x128xf32>
    %get3A_32 = vector.shape_cast %get3A_31 : vector<1x5x32x128xf32> to vector<5x32x128xf32>
    %add3A_33 = arith.addf %add3A_26, %get3A_32 : vector<5x32x128xf32>
    %get3A_34 = arith.constant 5 : index
    %get3A_35 = arith.constant 0 : index
    %get3A_36 = arith.constant 0 : index
    %get3A_37 = arith.constant 0 : index
    %get3A_38 = vector.load %arg1[%get3A_34, %get3A_35, %get3A_36, %get3A_37] : memref<17x5x32x128xf32, #tpu.memory_space<vmem>>, vector<1x5x32x128xf32>
    %get3A_39 = vector.shape_cast %get3A_38 : vector<1x5x32x128xf32> to vector<5x32x128xf32>
    %add3A_40 = arith.addf %add3A_33, %get3A_39 : vector<5x32x128xf32>
    %get3A_41 = arith.constant 6 : index
    %get3A_42 = arith.constant 0 : index
    %get3A_43 = arith.constant 0 : index
    %get3A_44 = arith.constant 0 : index
    %get3A_45 = vector.load %arg1[%get3A_41, %get3A_42, %get3A_43, %get3A_44] : memref<17x5x32x128xf32, #tpu.memory_space<vmem>>, vector<1x5x32x128xf32>
    %get3A_46 = vector.shape_cast %get3A_45 : vector<1x5x32x128xf32> to vector<5x32x128xf32>
    %add3A_47 = arith.addf %add3A_40, %get3A_46 : vector<5x32x128xf32>
    %get3A_48 = arith.constant 7 : index
    %get3A_49 = arith.constant 0 : index
    %get3A_50 = arith.constant 0 : index
    %get3A_51 = arith.constant 0 : index
    %get3A_52 = vector.load %arg1[%get3A_48, %get3A_49, %get3A_50, %get3A_51] : memref<17x5x32x128xf32, #tpu.memory_space<vmem>>, vector<1x5x32x128xf32>
    %get3A_53 = vector.shape_cast %get3A_52 : vector<1x5x32x128xf32> to vector<5x32x128xf32>
    %add3A_54 = arith.addf %add3A_47, %get3A_53 : vector<5x32x128xf32>
    %get3A_55 = arith.constant 8 : index
    %get3A_56 = arith.constant 0 : index
    %get3A_57 = arith.constant 0 : index
    %get3A_58 = arith.constant 0 : index
    %get3A_59 = vector.load %arg1[%get3A_55, %get3A_56, %get3A_57, %get3A_58] : memref<17x5x32x128xf32, #tpu.memory_space<vmem>>, vector<1x5x32x128xf32>
    %get3A_60 = vector.shape_cast %get3A_59 : vector<1x5x32x128xf32> to vector<5x32x128xf32>
    %add3A_61 = arith.addf %add3A_54, %get3A_60 : vector<5x32x128xf32>
    %get3A_62 = arith.constant 9 : index
    %get3A_63 = arith.constant 0 : index
    %get3A_64 = arith.constant 0 : index
    %get3A_65 = arith.constant 0 : index
    %get3A_66 = vector.load %arg1[%get3A_62, %get3A_63, %get3A_64, %get3A_65] : memref<17x5x32x128xf32, #tpu.memory_space<vmem>>, vector<1x5x32x128xf32>
    %get3A_67 = vector.shape_cast %get3A_66 : vector<1x5x32x128xf32> to vector<5x32x128xf32>
    %add3A_68 = arith.addf %add3A_61, %get3A_67 : vector<5x32x128xf32>
    %get3A_69 = arith.constant 10 : index
    %get3A_70 = arith.constant 0 : index
    %get3A_71 = arith.constant 0 : index
    %get3A_72 = arith.constant 0 : index
    %get3A_73 = vector.load %arg1[%get3A_69, %get3A_70, %get3A_71, %get3A_72] : memref<17x5x32x128xf32, #tpu.memory_space<vmem>>, vector<1x5x32x128xf32>
    %get3A_74 = vector.shape_cast %get3A_73 : vector<1x5x32x128xf32> to vector<5x32x128xf32>
    %add3A_75 = arith.addf %add3A_68, %get3A_74 : vector<5x32x128xf32>
    %get3A_76 = arith.constant 11 : index
    %get3A_77 = arith.constant 0 : index
    %get3A_78 = arith.constant 0 : index
    %get3A_79 = arith.constant 0 : index
    %get3A_80 = vector.load %arg1[%get3A_76, %get3A_77, %get3A_78, %get3A_79] : memref<17x5x32x128xf32, #tpu.memory_space<vmem>>, vector<1x5x32x128xf32>
    %get3A_81 = vector.shape_cast %get3A_80 : vector<1x5x32x128xf32> to vector<5x32x128xf32>
    %add3A_82 = arith.addf %add3A_75, %get3A_81 : vector<5x32x128xf32>
    %get3A_83 = arith.constant 12 : index
    %get3A_84 = arith.constant 0 : index
    %get3A_85 = arith.constant 0 : index
    %get3A_86 = arith.constant 0 : index
    %get3A_87 = vector.load %arg1[%get3A_83, %get3A_84, %get3A_85, %get3A_86] : memref<17x5x32x128xf32, #tpu.memory_space<vmem>>, vector<1x5x32x128xf32>
    %get3A_88 = vector.shape_cast %get3A_87 : vector<1x5x32x128xf32> to vector<5x32x128xf32>
    %add3A_89 = arith.addf %add3A_82, %get3A_88 : vector<5x32x128xf32>
    %get3A_90 = arith.constant 13 : index
    %get3A_91 = arith.constant 0 : index
    %get3A_92 = arith.constant 0 : index
    %get3A_93 = arith.constant 0 : index
    %get3A_94 = vector.load %arg1[%get3A_90, %get3A_91, %get3A_92, %get3A_93] : memref<17x5x32x128xf32, #tpu.memory_space<vmem>>, vector<1x5x32x128xf32>
    %get3A_95 = vector.shape_cast %get3A_94 : vector<1x5x32x128xf32> to vector<5x32x128xf32>
    %add3A_96 = arith.addf %add3A_89, %get3A_95 : vector<5x32x128xf32>
    %get3A_97 = arith.constant 14 : index
    %get3A_98 = arith.constant 0 : index
    %get3A_99 = arith.constant 0 : index
    %get3A_100 = arith.constant 0 : index
    %get3A_101 = vector.load %arg1[%get3A_97, %get3A_98, %get3A_99, %get3A_100] : memref<17x5x32x128xf32, #tpu.memory_space<vmem>>, vector<1x5x32x128xf32>
    %get3A_102 = vector.shape_cast %get3A_101 : vector<1x5x32x128xf32> to vector<5x32x128xf32>
    %add3A_103 = arith.addf %add3A_96, %get3A_102 : vector<5x32x128xf32>
    %get3A_104 = arith.constant 15 : index
    %get3A_105 = arith.constant 0 : index
    %get3A_106 = arith.constant 0 : index
    %get3A_107 = arith.constant 0 : index
    %get3A_108 = vector.load %arg1[%get3A_104, %get3A_105, %get3A_106, %get3A_107] : memref<17x5x32x128xf32, #tpu.memory_space<vmem>>, vector<1x5x32x128xf32>
    %get3A_109 = vector.shape_cast %get3A_108 : vector<1x5x32x128xf32> to vector<5x32x128xf32>
    %add3A_110 = arith.addf %add3A_103, %get3A_109 : vector<5x32x128xf32>
    %get3A_111 = arith.constant 16 : index
    %get3A_112 = arith.constant 0 : index
    %get3A_113 = arith.constant 0 : index
    %get3A_114 = arith.constant 0 : index
    %get3A_115 = vector.load %arg1[%get3A_111, %get3A_112, %get3A_113, %get3A_114] : memref<17x5x32x128xf32, #tpu.memory_space<vmem>>, vector<1x5x32x128xf32>
    %get3A_116 = vector.shape_cast %get3A_115 : vector<1x5x32x128xf32> to vector<5x32x128xf32>
    %add3A_117 = arith.addf %add3A_110, %get3A_116 : vector<5x32x128xf32>
    %get3A_118 = arith.constant 0 : index
    %get3A_119 = arith.constant 0 : index
    %get3A_120 = arith.constant 0 : index
    %get3A_121 = arith.constant 0 : index
    %get3A_122 = vector.load %arg2[%get3A_118, %get3A_119, %get3A_120, %get3A_121] : memref<9x5x32x128xf32, #tpu.memory_space<vmem>>, vector<1x5x32x128xf32>
    %get3A_123 = vector.shape_cast %get3A_122 : vector<1x5x32x128xf32> to vector<5x32x128xf32>
    %add3A_124 = arith.addf %add3A_117, %get3A_123 : vector<5x32x128xf32>
    %get3A_125 = arith.constant 1 : index
    %get3A_126 = arith.constant 0 : index
    %get3A_127 = arith.constant 0 : index
    %get3A_128 = arith.constant 0 : index
    %get3A_129 = vector.load %arg2[%get3A_125, %get3A_126, %get3A_127, %get3A_128] : memref<9x5x32x128xf32, #tpu.memory_space<vmem>>, vector<1x5x32x128xf32>
    %get3A_130 = vector.shape_cast %get3A_129 : vector<1x5x32x128xf32> to vector<5x32x128xf32>
    %add3A_131 = arith.addf %add3A_124, %get3A_130 : vector<5x32x128xf32>
    %get3A_132 = arith.constant 2 : index
    %get3A_133 = arith.constant 0 : index
    %get3A_134 = arith.constant 0 : index
    %get3A_135 = arith.constant 0 : index
    %get3A_136 = vector.load %arg2[%get3A_132, %get3A_133, %get3A_134, %get3A_135] : memref<9x5x32x128xf32, #tpu.memory_space<vmem>>, vector<1x5x32x128xf32>
    %get3A_137 = vector.shape_cast %get3A_136 : vector<1x5x32x128xf32> to vector<5x32x128xf32>
    %add3A_138 = arith.addf %add3A_131, %get3A_137 : vector<5x32x128xf32>
    %get3A_139 = arith.constant 3 : index
    %get3A_140 = arith.constant 0 : index
    %get3A_141 = arith.constant 0 : index
    %get3A_142 = arith.constant 0 : index
    %get3A_143 = vector.load %arg2[%get3A_139, %get3A_140, %get3A_141, %get3A_142] : memref<9x5x32x128xf32, #tpu.memory_space<vmem>>, vector<1x5x32x128xf32>
    %get3A_144 = vector.shape_cast %get3A_143 : vector<1x5x32x128xf32> to vector<5x32x128xf32>
    %add3A_145 = arith.addf %add3A_138, %get3A_144 : vector<5x32x128xf32>
    %get3A_146 = arith.constant 4 : index
    %get3A_147 = arith.constant 0 : index
    %get3A_148 = arith.constant 0 : index
    %get3A_149 = arith.constant 0 : index
    %get3A_150 = vector.load %arg2[%get3A_146, %get3A_147, %get3A_148, %get3A_149] : memref<9x5x32x128xf32, #tpu.memory_space<vmem>>, vector<1x5x32x128xf32>
    %get3A_151 = vector.shape_cast %get3A_150 : vector<1x5x32x128xf32> to vector<5x32x128xf32>
    %add3A_152 = arith.addf %add3A_145, %get3A_151 : vector<5x32x128xf32>
    %get3A_153 = arith.constant 5 : index
    %get3A_154 = arith.constant 0 : index
    %get3A_155 = arith.constant 0 : index
    %get3A_156 = arith.constant 0 : index
    %get3A_157 = vector.load %arg2[%get3A_153, %get3A_154, %get3A_155, %get3A_156] : memref<9x5x32x128xf32, #tpu.memory_space<vmem>>, vector<1x5x32x128xf32>
    %get3A_158 = vector.shape_cast %get3A_157 : vector<1x5x32x128xf32> to vector<5x32x128xf32>
    %add3A_159 = arith.addf %add3A_152, %get3A_158 : vector<5x32x128xf32>
    %get3A_160 = arith.constant 6 : index
    %get3A_161 = arith.constant 0 : index
    %get3A_162 = arith.constant 0 : index
    %get3A_163 = arith.constant 0 : index
    %get3A_164 = vector.load %arg2[%get3A_160, %get3A_161, %get3A_162, %get3A_163] : memref<9x5x32x128xf32, #tpu.memory_space<vmem>>, vector<1x5x32x128xf32>
    %get3A_165 = vector.shape_cast %get3A_164 : vector<1x5x32x128xf32> to vector<5x32x128xf32>
    %add3A_166 = arith.addf %add3A_159, %get3A_165 : vector<5x32x128xf32>
    %get3A_167 = arith.constant 7 : index
    %get3A_168 = arith.constant 0 : index
    %get3A_169 = arith.constant 0 : index
    %get3A_170 = arith.constant 0 : index
    %get3A_171 = vector.load %arg2[%get3A_167, %get3A_168, %get3A_169, %get3A_170] : memref<9x5x32x128xf32, #tpu.memory_space<vmem>>, vector<1x5x32x128xf32>
    %get3A_172 = vector.shape_cast %get3A_171 : vector<1x5x32x128xf32> to vector<5x32x128xf32>
    %add3A_173 = arith.addf %add3A_166, %get3A_172 : vector<5x32x128xf32>
    %get3A_174 = arith.constant 8 : index
    %get3A_175 = arith.constant 0 : index
    %get3A_176 = arith.constant 0 : index
    %get3A_177 = arith.constant 0 : index
    %get3A_178 = vector.load %arg2[%get3A_174, %get3A_175, %get3A_176, %get3A_177] : memref<9x5x32x128xf32, #tpu.memory_space<vmem>>, vector<1x5x32x128xf32>
    %get3A_179 = vector.shape_cast %get3A_178 : vector<1x5x32x128xf32> to vector<5x32x128xf32>
    %add3A_180 = arith.addf %add3A_173, %get3A_179 : vector<5x32x128xf32>
    %reshape3A = vector.shape_cast %add3A_180 : vector<5x32x128xf32> to vector<5x4096xf32>
    %get3A_181 = arith.constant 0 : index
    %get3A_182 = arith.constant 0 : index
    %get3A_183 = vector.load %arg3[%get3A_181, %get3A_182] : memref<5x1xf32, #tpu.memory_space<vmem>>, vector<5x1xf32>
    %add3A_184 = vector.broadcast %get3A_183 : vector<5x1xf32> to vector<5x4096xf32>
    %add3A_185 = arith.addf %reshape3A, %add3A_184 : vector<5x4096xf32>
    %swap3A = arith.constant 0 : index
    %swap3A_186 = arith.constant 0 : index
    %swap3A_187 = vector.load %arg4[%swap3A, %swap3A_186] : memref<5x4096xf32, #tpu.memory_space<vmem>>, vector<5x4096xf32>
    tpu.vector_store %arg4[%swap3A, %swap3A_186], %add3A_185 {strides = array<i32>} : memref<5x4096xf32, #tpu.memory_space<vmem>>, vector<5x4096xf32>,
    return
  }
  func.func @transform_0(%arg0: i32) -> (i32, i32, i32, i32) {
    %c0_i32 = arith.constant 0 : i32
    %c0_i32_0 = arith.constant 0 : i32
    %c0_i32_1 = arith.constant 0 : i32
    %c0_i32_2 = arith.constant 0 : i32
    return %c0_i32, %c0_i32_0, %arg0, %c0_i32_1 : i32, i32, i32, i32
  }
  func.func @transform_1(%arg0: i32) -> (i32, i32, i32, i32) {
    %c0_i32 = arith.constant 0 : i32
    %c0_i32_0 = arith.constant 0 : i32
    %c0_i32_1 = arith.constant 0 : i32
    %c0_i32_2 = arith.constant 0 : i32
    return %c0_i32, %c0_i32_0, %arg0, %c0_i32_1 : i32, i32, i32, i32
  }
  func.func @transform_2(%arg0: i32) -> (i32, i32) {
    %c0_i32 = arith.constant 0 : i32
    %c0_i32_0 = arith.constant 0 : i32
    %c0_i32_1 = arith.constant 0 : i32
    return %c0_i32, %c0_i32_0 : i32, i32
  }
  func.func @transform_3(%arg0: i32) -> (i32, i32) {
    %c0_i32 = arith.constant 0 : i32
    %c0_i32_0 = arith.constant 0 : i32
    return %c0_i32, %arg0 : i32, i32
  }
}

</mosaic_0001>

<sc_bundles>
// kernel: kernel.10.cloned.1.call-start
scs
__scs_entry_jumppad:
0x0: {  	(pc) =	sbr.rel $0x88, $3  }
0x1: {  	(tag) =	ssettag $0x0;
	lr =	simm.s32 $0x1  }
0x2: {  	[smem:$0x3F9D] =	sst lr;
	_ =	strace $0xD0000000  }
0x3: {  	_ = 	snop  }
0x4: {  	_ = 	snop  }
0x5: {  	_ = 	snop  }
0x6: {  	_ = 	snop  }
0x7: {  	_ = 	snop  }
__scs_overlays_trampoline_lowered:
0x8: {  	[smem:$0x3FAC] =	sst s0  }
0x9: {  	[smem:$0x3FAD] =	sst s1  }
0xa: {  	[smem:$0x3FAE] =	sst s2  }
0xb: {  	[smem:$0x3FAF] =	sst s3  }
0xc: {  	[smem:$0x3FB0] =	sst s4  }
0xd: {  	[smem:$0x3FB1] =	sst s5  }
0xe: {  	[smem:$0x3FB2] =	sst s6  }
0xf: {  	[smem:$0x3FB3] =	sst s7  }
0x10: {  	[smem:$0x3FB4] =	sst s8  }
0x11: {  	[smem:$0x3FB5] =	sst s9;
	s0 =	simm.s32 @!p0 $0x0  }
0x12: {  	s1 =	sld [smem:$0x3F9B];
	s0 =	simm.s32 @p0 $0x1  }
0x13: {  	[smem:$0x3FB6] =	sst s0;
	s0 =	simm.s32 @!p1 $0x0  }
0x14: {  	s2 =	sld [smem:$0x3F9A];
	s0 =	simm.s32 @p1 $0x1  }
0x15: {  	[smem:$0x3FB7] =	sst s0;
	s0 =	simm.s32 @!p2 $0x0  }
0x16: {  	s3 =	sld [smem:$0x3FDB];
	s0 =	simm.s32 @p2 $0x1  }
0x17: {  	s4 =	simm.s32 $0x1BF5;
	[smem:$0x3FB9] =	sst s0  }
0x18: {  	s0 =	sld [smem:$0x3F9C];
	_ =	swait.ge [sflag:s4], $0x0  }
0x19: {  	s7 =	sld [smem:$0x3F9D]  }
0x1a: {  	s8 =	sadd.s32 $0xFFFFE003, lr  }
0x1b: {  	s9 =	sadd.s32 $0xFFFFFEF7, lr;
	s5 =	simm.s32 $0xFFFFFFFF;
	p2 =	slt.u32 s8, $0xFFFFF086  }
0x1c: {  	p1 =	slt.u32 s9, $0xF7A;
	s5 =	simm.s32 @!p2 $0x0  }
0x1d: {  	s5 =	simm.s32 @p1 $0x1;
	p0 =	seq.s32 s7, s2  }
0x1e: {  	s7 =	smul.u32 @!p0 $0xF7A, s2;
	p2 =	seq.s32 @!p0 s5, $0x0  }
0x1f: {  	s9 =	smul.u32 $0xF7A, s1;
	s8 =	simm.s32 @!p0 $0x1BF5;
	p2 =	por !p2, p0  }
0x20: {  	[sflag:s8] =	ssyncset.s32 @!p0 $0xFFFFF086;
	s6 =	sadd.s32 @!p0 s3, s7;
	s7 =	simm.s32 @!p0 $0x108  }
0x21: {  	s3 =	sadd.s32 s3, s9;
	s6 =	sadd.s32 @!p0 $0x88, s6;
	s7 =	simm.s32 @p2 $0x1082  }
0x22: {  	[simem:s7], [sflag:s8] =	dma.local @!p0 [hbm:s6], $0xF7A  }
0x23: {  	s9 =	sor.u32 $0xD0000000, s2;
	s6 =	simm.s32 $0x108;
	_ =	swait.ge @!p0 [sflag:s8], $0x0  }
0x24: {  	s3 =	sadd.s32 $0x88, s3;
	s6 =	simm.s32 @!p1 $0x1082;
	[sflag:s4] =	ssyncset.s32 $0xFFFFF086  }
0x25: {  	[simem:s6], [sflag:s4] =	dma.local [hbm:s3], $0xF7A  }
0x26: {  	[smem:$0x3F9D] =	sst s1;
	(tag) =	ssettag s2;
	_ =	strace s9  }
0x27: {  	s1 =	sld [smem:$0x3FAD]  }
0x28: {  	s2 =	sld [smem:$0x3FAE]  }
0x29: {  	s4 =	sld [smem:$0x3FB0]  }
0x2a: {  	p0 =	seq.s32 s5, $0x0;
	s5 =	sld [smem:$0x3FB1]  }
0x2b: {  	s6 =	sld [smem:$0x3FB2]  }
0x2c: {  	s7 =	sld [smem:$0x3FB3]  }
0x2d: {  	s3 =	simm.s32 $0x108;
	s8 =	sld [smem:$0x3FB4]  }
0x2e: {  	s3 =	simm.s32 @!p0 $0x1082;
	s9 =	sld [smem:$0x3FB5]  }
0x2f: {  	lr =	sadd.s32 s0, s3;
	s0 =	sld [smem:$0x3FAC]  }
0x30: {  	s3 =	sld [smem:$0x3FAF]  }
0x31: {  	[smem:$0x3FB8] =	sst s10  }
0x32: {  	s10 =	sld [smem:$0x3FB6];
	_ =	sdelay $0x3  }
0x33: {  	p0 =	seq.s32 s10, $0x1;
	s10 =	sld [smem:$0x3FB8];
	_ =	sdelay $0x3  }
0x34: {  	[smem:$0x3FB8] =	sst s10  }
0x35: {  	s10 =	sld [smem:$0x3FB7];
	_ =	sdelay $0x3  }
0x36: {  	p1 =	seq.s32 s10, $0x1;
	s10 =	sld [smem:$0x3FB8];
	_ =	sdelay $0x3  }
0x37: {  	[smem:$0x3FB8] =	sst s10  }
0x38: {  	s10 =	sld [smem:$0x3FB9]  }
0x39: {  	_ = 	snop;
	(pc) =	sbr.ind lr, $3  }
0x3a: {  	_ = 	snop  }
0x3b: {  	_ = 	snop  }
0x3c: {  	p2 =	seq.s32 s10, $0x1;
	s10 =	sld [smem:$0x3FB8]  }
0x3d: {  	_ =	shalt  }
0x3e: {  	_ =	shalt  }
0x3f: {  	_ =	shalt  }
0x40: {  	_ =	shalt  }
0x41: {  	_ =	shalt  }
0x42: {  	_ =	shalt  }
0x43: {  	_ =	shalt  }
0x44: {  	_ =	shalt  }
0x45: {  	_ =	shalt  }
0x46: {  	_ =	shalt  }
0x47: {  	_ =	shalt  }
0x48: {  	_ =	shalt  }
0x49: {  	_ =	shalt  }
0x4a: {  	_ =	shalt  }
0x4b: {  	_ =	shalt  }
0x4c: {  	_ =	shalt  }
0x4d: {  	_ =	shalt  }
0x4e: {  	_ =	shalt  }
0x4f: {  	_ =	shalt  }
0x50: {  	_ =	shalt  }
0x51: {  	_ =	shalt  }
0x52: {  	_ =	shalt  }
0x53: {  	_ =	shalt  }
0x54: {  	_ =	shalt  }
0x55: {  	_ =	shalt  }
0x56: {  	_ =	shalt  }
0x57: {  	_ =	shalt  }
0x58: {  	_ =	shalt  }
0x59: {  	_ =	shalt  }
0x5a: {  	_ =	shalt  }
0x5b: {  	_ =	shalt  }
0x5c: {  	_ =	shalt  }
0x5d: {  	_ =	shalt  }
0x5e: {  	_ =	shalt  }
0x5f: {  	_ =	shalt  }
0x60: {  	_ =	shalt  }
0x61: {  	_ =	shalt  }
0x62: {  	_ =	shalt  }
0x63: {  	_ =	shalt  }
0x64: {  	_ =	shalt  }
0x65: {  	_ =	shalt  }
0x66: {  	_ =	shalt  }
0x67: {  	_ =	shalt  }
0x68: {  	_ =	shalt  }
0x69: {  	_ =	shalt  }
0x6a: {  	_ =	shalt  }
0x6b: {  	_ =	shalt  }
0x6c: {  	_ =	shalt  }
0x6d: {  	_ =	shalt  }
0x6e: {  	_ =	shalt  }
0x6f: {  	_ =	shalt  }
0x70: {  	_ =	shalt  }
0x71: {  	_ =	shalt  }
0x72: {  	_ =	shalt  }
0x73: {  	_ =	shalt  }
0x74: {  	_ =	shalt  }
0x75: {  	_ =	shalt  }
0x76: {  	_ =	shalt  }
0x77: {  	_ =	shalt  }
0x78: {  	_ =	shalt  }
0x79: {  	_ =	shalt  }
0x7a: {  	_ =	shalt  }
0x7b: {  	_ =	shalt  }
0x7c: {  	_ =	shalt  }
0x7d: {  	_ =	shalt  }
0x7e: {  	_ =	shalt  }
0x7f: {  	_ =	shalt  }
0x80: {  	_ =	shalt  }
0x81: {  	_ =	shalt  }
0x82: {  	_ =	shalt  }
0x83: {  	_ =	shalt  }
0x84: {  	_ =	shalt  }
0x85: {  	_ =	shalt  }
0x86: {  	_ =	shalt  }
0x87: {  	_ =	shalt  }
.Lfunc_end0:
.L_simem_size_0:
called_computation.1_lowered:
.L_overlay_start_0:
0x88: {  	s2 =	sld [smem:$0x3FD9]  }
0x89: {  	s3 =	sld [smem:$0x3FFE];
	_ =	sdelay $0x1  }
0x8a: {  	s1 =	srdreg.scid  }
0x8b: {  	s0 =	sand.u32 $0x1, s1  }
0x8c: {  	s17 =	sshll.u32 s0, $0xA;
	s2 =	sadd.s32 s3, s2  }
0x8d: {  	s2 =	sadd.s32 s2, s17  }
0x8e: {  	[smem:$0x3FC4] =	sst s2  }
0x8f: {  	_ = 	snop  }
0x90: {  	(tm) =	ssettm $0x1  }
0x91: {  	s18 =	sld [smem:$0x3FFB];
	_ =	sdelay $0x3  }
0x92: {  	_ =	strace s18  }
0x93: {  	s2 =	sld [smem:$0x3FFC];
	_ =	sdelay $0x3  }
0x94: {  	_ =	strace s2  }
0x95: {  	s2 =	sld [smem:$0x3FFD];
	_ =	sdelay $0x3  }
0x96: {  	_ =	strace s2  }
0x97: {  	_ =	strace $0x8FFFFFFF  }
0x98: {  	s19 =	sld [smem:$0x3FDB];
	_ =	sdelay $0x1  }
0x99: {  	s20 =	simm.s32 $_scs_section_size  }
0x9a: {  	s4 =	simm.s32 $_size__tile_overlayer_lowered;
	s5 =	simm.s32 $_tile_overlayer_lowered  }
0x9b: {  	s6 =	simm.s32 $0x1BFF;
	s21 =	sshll.u32 s5, $0x1;
	s3 =	sadd.s32 s20, s19  }
0x9c: {  	s22 =	simm.s32 $0x0;
	s4 =	sshll.u32 s4, $0x1;
	s5 =	sadd.s32 s21, s3  }
0x9d: {  	[timem:s22], [sflag:s6] =	dma.local [hbm:s5], s4  }
0x9e: {  	_ =	swait.ge [sflag:s6], s4  }
0x9f: {  	s4 =	ssub.s32 $0x0, s4;
	[sflag:s6] =	ssyncset.done $0x0  }
0xa0: {  	[sflag:s6] =	ssyncadd.s32 s4;
	_ =	sdelay $0x1  }
0xa1: {  	s23 =	simm.s32 $0x1B8B  }
0xa2: {  	_ =	swait.ge [sflag:s23], $0x1  }
0xa3: {  	[sflag:s23] =	ssyncset.done $0x0  }
0xa4: {  	[sflag:s23] =	ssyncadd.s32 $0xFFFFFFFF  }
0xa5: {  	s4 =	sld [smem:$0x0]  }
0xa6: {  	s5 =	sand.u32 $0xFFFFFFFE, s1  }
0xa7: {  	p0 =	sne.s32 s1, s5  }
0xa8: {  	s5 =	sshll.u32 @p0 s5, $0xE  }
0xa9: {  	s5 =	sadd.s32 @p0 $0x11B8D, s5;
	s6 =	sshll.u32 @p0 s4, $0x11  }
0xaa: {  	s5 =	sor.u32 @p0 s6, s5  }
0xab: {  	[sflag:s5] =	ssyncadd.remote.s32 @p0 $0x1;
	_ =	sdelay $0x1  }
0xac: {  	s5 =	simm.s32 @p0 $0x1B8D  }
0xad: {  	_ =	swait.eq @p0 [sflag:s5], $0x1  }
0xae: {  	[sflag:s5] =	ssyncadd.s32 @p0 $0xFFFFFFFF  }
0xaf: {  	s6 =	sshll.u32 @!p0 s1, $0xE  }
0xb0: {  	s6 =	sor.u32 @!p0 $0x4000, s6;
	s5 =	simm.s32 @!p0 $0x1B8D  }
0xb1: {  	s4 =	sshll.u32 @!p0 s4, $0x11;
	s6 =	sadd.s32 @!p0 $0x11B8D, s6;
	_ =	swait.eq @!p0 [sflag:s5], $0x1  }
0xb2: {  	s4 =	sor.u32 @!p0 s4, s6;
	[sflag:s5] =	ssyncadd.s32 @!p0 $0xFFFFFFFF  }
0xb3: {  	s25 =	simm.s32 $0x1B8E;
	s24 =	sld [smem:$0x3FFE];
	[sflag:s4] =	ssyncadd.remote.s32 @!p0 $0x1  }
0xb4: {  	s26 =	simm.s32 $execute0_lowered;
	[smem:$0x3FD2] =	sst s25  }
0xb5: {  	s5 =	sshll.u32 s26, $0x1;
	_ =	strace $0x80000049;
	[dreg:$0x1] =	wrdreg $0xFFFFFFFF  }
0xb6: {  	s28 =	simm.s32 $_size_execute0_lowered;
	s3 =	sadd.s32 s3, s5;
	[dreg:$0x0] =	wrdreg $0x0  }
0xb7: {  	s5 =	sshll.u32 s28, $0x1;
	[dreg:$0x2] =	wrdreg s3  }
0xb8: {  	[dreg:$0x3] =	wrdreg s5  }
0xb9: {  	[dreg:$0x4] =	wrdreg $0xC0  }
0xba: {  	_ =	task [dreg:s22], $0x5FFFF  }
0xbb: {  	[dreg:$0x1] =	wrdreg $0xFFFFFFFF  }
0xbc: {  	[dreg:$0x0] =	wrdreg $0x60  }
0xbd: {  	[dreg:$0x2] =	wrdreg s24  }
0xbe: {  	[dreg:$0x3] =	wrdreg $0xA  }
0xbf: {  	_ =	task.clear_ibuf [dreg:s22], $0x4FFFF;
	_ =	strace $0x90000049  }
0xc0: {  	s29 =	simm.s32 $0xA;
	_ =	strace $0x8000004B  }
0xc1: {  	_ =	swait.ge [sflag:s29], $0x1  }
0xc2: {  	[sflag:s29] =	ssyncadd.s32 $0xFFFFFFFF  }
0xc3: {  	_ =	strace $0x9000004B  }
0xc4: {  	_ =	sfence  }
0xc5: {  	s30 =	sld [smem:$0x0];
	_ =	sdelay $0x2  }
0xc6: {  	s31 =	sshll.u32 s1, $0xD;
	s1 =	sshrl.u32 s1, $0x2  }
0xc7: {  	s4 =	sand.u32 $0x4000, s31;
	s1 =	sadd.s32 s1, s30  }
0xc8: {  	s0 =	sor.u32 s4, s0;
	s1 =	sshll.u32 s1, $0x11  }
0xc9: {  	s0 =	sor.u32 s1, s0  }
0xca: {  	s0 =	sadd.s32 $0x8F2B, s0  }
0xcb: {  	[sflag:s0] =	ssyncadd.remote.s32 $0x1  }
0xcc: {  	_ =	sfence.sel $0xFFFF  }
0xcd: {  	[dreg:$0x0] =	wrdreg $0xFFFFFFFF;
	(pc) =	sbr.abs _section_cstart, $3  }
0xce: {  	[dreg:$0x1] =	wrdreg $0xFFFFFFFF  }
0xcf: {  	_ =	task.clear_ibuf [dreg:s22], $0x2FFFF;
	_ =	strace $0x9FFFFFFF  }
0xd0: {  	(tm) =	ssettm $0x7FFFFFFF  }
0xd1: {  	_ =	shalt  }
tec
execute0_lowered:
.L_overlay_start_1:
0x0: {  	(tag) =	ssettag $0x1  }
0x1: {  	s7 =	rddreg [dreg:$0x0]  }
0x2: {  	s0 =	rddreg [dreg:$0x1];
	s1 =	simm.s32 $0x0  }
0x3: {  	s2 =	srdreg.scid;
	s9 =	simm.s32 $0x1;
	s10 =	simm.s32 $0x18800  }
.Ltmp0:
0x4: {  	s11 =	simm.s32 $0x1A800;
	s3 =	sand.u32 $0x1, s2;
	(pc) =	sbr.rel .LBB2_1-.Ltmp0, $4  }
0x5: {  	s12 =	simm.s32 $0x0;
	[smem:$0x7FF] =	sst s1;
	s6 =	ssub.s32 $0x2, s3  }
0x6: {  	s4 =	sadd.s32 $0x13CE00, s7;
	s2 =	stileid.u32;
	s8 =	sshrl.u32 s6, $0x1  }
0x7: {  	s5 =	sadd.s32 $0x1C6C00, s7;
	s7 =	sadd.s32 $0x9800, s7;
	s8 =	ssub.s32 s6, s8  }
0x8: {  	_ =	strace $0x8000004A;
	s6 =	sshll.u32 s2, $0x1;
	s8 =	smax.u32 s8, $0x1  }
.LBB2_9:
0x9: {  	s12 =	sadd.s32 $0x1, s12  }
0xa: {  	p0 =	sne.s32 s12, s8  }
.Ltmp1:
0xb: {  	_ = 	snop;
	(pc) =	sbr.rel @!p0 .LBB2_10-.Ltmp1, $1  }
0xc: {  	_ =	sdelay $0x3  }
.LBB2_1:
.Ltmp2:
0xd: {  	(pc) =	sbr.rel .LBB2_2-.Ltmp2, $2  }
0xe: {  	_ =	sdelay $0x2  }
0xf: {  	p1 =	por $0x1, $0x1;
	s13 =	simm.s32 $0x0  }
.LBB2_8:
.Ltmp3:
0x10: {  	(pc) =	sbr.rel @!p0 .LBB2_9-.Ltmp3, $2  }
0x11: {  	_ =	sdelay $0x2  }
0x12: {  	s13 =	simm.s32 $0x20;
	p1 =	por $0x0, $0x0  }
.LBB2_2:
0x13: {  	s13 =	sor.u32 s13, s6  }
0x14: {  	s13 =	sor.u32 s3, s13  }
0x15: {  	p2 =	sgt.u32 s13, $0x2C  }
.Ltmp4:
0x16: {  	_ = 	snop;
	(pc) =	sbr.rel @p2 .LBB2_8-.Ltmp4, $2  }
0x17: {  	_ =	sdelay $0x2  }
0x18: {  	p0 =	por p1, p1  }
0x19: {  	s14 =	smul.u32 $0xCD, s13;
	_ =	sdelay $0x1  }
0x1a: {  	s14 =	sshrl.u32 s14, $0xA  }
0x1b: {  	s14 =	sand.u32 $0x3F, s14  }
0x1c: {  	s15 =	smul.u32 $0x5, s14;
	_ =	sdelay $0x1  }
0x1d: {  	s29 =	ssub.s32 s13, s15  }
0x1e: {  	s30 =	smul.u32 $0x7A800, s14;
	s15 =	sand.u32 $0xFF, s29  }
0x1f: {  	s16 =	smul.u32 $0x18800, s15;
	_ =	sdelay $0x1  }
0x20: {  	s13 =	sadd.s32 s16, s30  }
0x21: {  	s13 =	sshrl.u32 s13, $0x3  }
0x22: {  	s13 =	sadd.s32 s4, s13  }
0x23: {  	[tilespmem:s1], [sflag:$0x1] =	stream.linear.gather [hbm4b:s13+s1], $0x18800, $0x38;
	[tilespmem:$0x1C800] =	vst v63  }
0x24: {  	_ =	swait.ge [sflag:s9], $0x18800  }
0x25: {  	s31 =	sshll.u32 s14, $0xB;
	[sflag:s9] =	ssyncset.done $0x0  }
0x26: {  	s14 =	smul.u32 $0x14000, s14;
	s13 =	sadd.s32 s31, s7;
	[sflag:s9] =	ssyncadd.s32 $0xFFFE7800  }
0x27: {  	[tilespmem:s10], [sflag:$0x1] =	stream.linear.gather [hbm4b:s13+s1], $0x2000, $0x38;
	[tilespmem:$0x1C800] =	vst v63  }
0x28: {  	s15 =	sshll.u32 s15, $0xE;
	_ =	swait.ge [sflag:s9], $0x2000  }
0x29: {  	s17 =	simm.s32 $0x1A840;
	s14 =	sadd.s32 s15, s14;
	[sflag:s9] =	ssyncset.done $0x0  }
0x2a: {  	s15 =	simm.s32 $0xFFFFFFF8;
	s16 =	simm.s32 $0x18840;
	[sflag:s9] =	ssyncadd.s32 $0xFFFFE000  }
.LBB2_4:
0x2b: {  	v0 =	vld [tilespmem:s16+$0xFFFFFFC0];
	_ =	sdelay $0x7  }
0x2c: {  	v0 =	vld.idx.msk [tilespmem:v0+s1+$0x0], $0xffff;
	_ =	sdelay $0x4  }
0x2d: {  	[tilespmem:s17+$0xFFFFFFC0] =	vst v0  }
0x2e: {  	v0 =	vld [tilespmem:s16+$0xFFFFFFD0];
	_ =	sdelay $0x7  }
0x2f: {  	v0 =	vld.idx.msk [tilespmem:v0+s1+$0x0], $0xffff;
	_ =	sdelay $0x4  }
0x30: {  	[tilespmem:s17+$0xFFFFFFD0] =	vst v0  }
0x31: {  	v0 =	vld [tilespmem:s16+$0xFFFFFFE0];
	_ =	sdelay $0x7  }
0x32: {  	v0 =	vld.idx.msk [tilespmem:v0+s1+$0x0], $0xffff;
	_ =	sdelay $0x4  }
0x33: {  	[tilespmem:s17+$0xFFFFFFE0] =	vst v0  }
0x34: {  	v0 =	vld [tilespmem:s16+$0xFFFFFFF0];
	_ =	sdelay $0x7  }
0x35: {  	v0 =	vld.idx.msk [tilespmem:v0+s1+$0x0], $0xffff;
	_ =	sdelay $0x4  }
0x36: {  	[tilespmem:s17+$0xFFFFFFF0] =	vst v0  }
0x37: {  	v0 =	vld [tilespmem:s16+$0x0];
	_ =	sdelay $0x7  }
0x38: {  	v0 =	vld.idx.msk [tilespmem:v0+s1+$0x0], $0xffff;
	_ =	sdelay $0x4  }
0x39: {  	[tilespmem:s17+$0x0] =	vst v0  }
0x3a: {  	v0 =	vld [tilespmem:s16+$0x10];
	_ =	sdelay $0x7  }
0x3b: {  	v0 =	vld.idx.msk [tilespmem:v0+s1+$0x0], $0xffff;
	_ =	sdelay $0x4  }
0x3c: {  	[tilespmem:s17+$0x10] =	vst v0  }
0x3d: {  	v0 =	vld [tilespmem:s16+$0x20];
	_ =	sdelay $0x7  }
0x3e: {  	v0 =	vld.idx.msk [tilespmem:v0+s1+$0x0], $0xffff;
	_ =	sdelay $0x4  }
0x3f: {  	[tilespmem:s17+$0x20] =	vst v0  }
0x40: {  	v0 =	vld [tilespmem:s16+$0x30];
	_ =	sdelay $0x6  }
0x41: {  	s15 =	sadd.s32 $0x8, s15  }
0x42: {  	p1 =	slt.u32 s15, $0x1F8;
	v0 =	vld.idx.msk [tilespmem:v0+s1+$0x0], $0xffff  }
.Ltmp5:
0x43: {  	_ = 	snop;
	(pc) =	sbr.rel @p1 .LBB2_4-.Ltmp5, $2  }
0x44: {  	_ =	sdelay $0x2  }
0x45: {  	s16 =	sadd.s32 $0x80, s16;
	[tilespmem:s17+$0x30] =	vst v0;
	s17 =	sadd.s32 $0x80, s17  }
0x46: {  	s14 =	sshrl.u32 s14, $0x3  }
0x47: {  	s15 =	sadd.s32 s5, s14  }
0x48: {  	[hbm4b:s15+s1] =	stream.linear.scatter [tilespmem:s11], [sflag:$0x1], $0x2000, $0x38;
	[tilespmem:$0x1C800] =	vst v63  }
0x49: {  	_ =	swait.ge [sflag:s9], $0x2000  }
0x4a: {  	[sflag:s9] =	ssyncset.done $0x0  }
0x4b: {  	s13 =	sadd.s32 $0x400, s13;
	[sflag:s9] =	ssyncadd.s32 $0xFFFFE000  }
0x4c: {  	[tilespmem:s10], [sflag:$0x1] =	stream.linear.gather [hbm4b:s13+s1], $0x2000, $0x38;
	[tilespmem:$0x1C800] =	vst v63  }
0x4d: {  	_ =	swait.ge [sflag:s9], $0x2000  }
0x4e: {  	s16 =	simm.s32 $0x1A840;
	[sflag:s9] =	ssyncset.done $0x0  }
0x4f: {  	s15 =	simm.s32 $0x18840;
	s13 =	simm.s32 $0xFFFFFFF8;
	[sflag:s9] =	ssyncadd.s32 $0xFFFFE000  }
.LBB2_6:
0x50: {  	v0 =	vld [tilespmem:s15+$0xFFFFFFC0];
	_ =	sdelay $0x7  }
0x51: {  	v0 =	vld.idx.msk [tilespmem:v0+s1+$0x0], $0xffff;
	_ =	sdelay $0x4  }
0x52: {  	[tilespmem:s16+$0xFFFFFFC0] =	vst v0  }
0x53: {  	v0 =	vld [tilespmem:s15+$0xFFFFFFD0];
	_ =	sdelay $0x7  }
0x54: {  	v0 =	vld.idx.msk [tilespmem:v0+s1+$0x0], $0xffff;
	_ =	sdelay $0x4  }
0x55: {  	[tilespmem:s16+$0xFFFFFFD0] =	vst v0  }
0x56: {  	v0 =	vld [tilespmem:s15+$0xFFFFFFE0];
	_ =	sdelay $0x7  }
0x57: {  	v0 =	vld.idx.msk [tilespmem:v0+s1+$0x0], $0xffff;
	_ =	sdelay $0x4  }
0x58: {  	[tilespmem:s16+$0xFFFFFFE0] =	vst v0  }
0x59: {  	v0 =	vld [tilespmem:s15+$0xFFFFFFF0];
	_ =	sdelay $0x7  }
0x5a: {  	v0 =	vld.idx.msk [tilespmem:v0+s1+$0x0], $0xffff;
	_ =	sdelay $0x4  }
0x5b: {  	[tilespmem:s16+$0xFFFFFFF0] =	vst v0  }
0x5c: {  	v0 =	vld [tilespmem:s15+$0x0];
	_ =	sdelay $0x7  }
0x5d: {  	v0 =	vld.idx.msk [tilespmem:v0+s1+$0x0], $0xffff;
	_ =	sdelay $0x4  }
0x5e: {  	[tilespmem:s16+$0x0] =	vst v0  }
0x5f: {  	v0 =	vld [tilespmem:s15+$0x10];
	_ =	sdelay $0x7  }
0x60: {  	v0 =	vld.idx.msk [tilespmem:v0+s1+$0x0], $0xffff;
	_ =	sdelay $0x4  }
0x61: {  	[tilespmem:s16+$0x10] =	vst v0  }
0x62: {  	v0 =	vld [tilespmem:s15+$0x20];
	_ =	sdelay $0x7  }
0x63: {  	v0 =	vld.idx.msk [tilespmem:v0+s1+$0x0], $0xffff;
	_ =	sdelay $0x4  }
0x64: {  	[tilespmem:s16+$0x20] =	vst v0  }
0x65: {  	v0 =	vld [tilespmem:s15+$0x30];
	_ =	sdelay $0x6  }
0x66: {  	s13 =	sadd.s32 $0x8, s13  }
0x67: {  	p1 =	slt.u32 s13, $0x1F8;
	v0 =	vld.idx.msk [tilespmem:v0+s1+$0x0], $0xffff  }
.Ltmp6:
0x68: {  	_ = 	snop;
	(pc) =	sbr.rel @p1 .LBB2_6-.Ltmp6, $2  }
0x69: {  	_ =	sdelay $0x2  }
0x6a: {  	s15 =	sadd.s32 $0x80, s15;
	[tilespmem:s16+$0x30] =	vst v0;
	s16 =	sadd.s32 $0x80, s16  }
0x6b: {  	s13 =	sadd.s32 s14, s5  }
.Ltmp7:
0x6c: {  	s13 =	sadd.s32 $0x400, s13;
	(pc) =	sbr.rel .LBB2_8-.Ltmp7, $4  }
0x6d: {  	[hbm4b:s13+s1] =	stream.linear.scatter [tilespmem:s11], [sflag:$0x1], $0x2000, $0x38;
	[tilespmem:$0x1C800] =	vst v63  }
0x6e: {  	_ =	swait.ge [sflag:s9], $0x2000  }
0x6f: {  	[sflag:s9] =	ssyncset.done $0x0  }
0x70: {  	[sflag:s9] =	ssyncadd.s32 $0xFFFFE000  }
.LBB2_10:
0x71: {  	_ =	sfence.sel $0x180000  }
0x72: {  	[bflag:$0x0] =	sbarrier.arrive $0xFFFF  }
0x73: {  	p0 =	sne.s32 s2, $0x0;
	_ =	strace $0x9000004A  }
0x74: {  	s0 =	sadd.s32 @!p0 $0x100000, s0;
	[bflag:$0x2] =	sbarrier.arrive $0xFFFF  }
0x75: {  	[sflag:s0] =	ssyncadd.tile.s32 @!p0 $0x1;
	_ =	shalt  }
.Lfunc_end2:
_tile_overlayer_lowered:
.L_overlay_start_2:
0x76: {  	(tag) =	ssettag $0x2  }
0x77: {  	s0 =	rddreg [dreg:$0x0];
	s2 =	stileid.u32  }
0x78: {  	s1 =	rddreg [dreg:$0x1];
	p0 =	sne.s32 s2, $0x0  }
0x79: {  	s3 =	rddreg [dreg:$0x2];
	[bflag:$0x3] =	sbarrier.arrive $0xFFFF;
	s2 =	simm.s32 @!p0 $0x1C01  }
0x7a: {  	[timem:s3], [sflag:s2] =	dma.local @!p0 [hbm:s0], s1  }
0x7b: {  	s0 =	simm.s32 @!p0 $0x1  }
0x7c: {  	_ =	swait.ge @!p0 [sflag:s0], s1  }
0x7d: {  	s1 =	ssub.s32 @!p0 $0x0, s1;
	[sflag:s0] =	ssyncset.done @!p0 $0x0  }
0x7e: {  	[sflag:s0] =	ssyncadd.s32 @!p0 s1  }
0x7f: {  	[bflag:$0x3] =	sbarrier.arrive $0xFFFF  }
0x80: {  	_ =	shalt  }

// kernel: kernel.7.cloned.1.call-start
scs
__scs_entry_jumppad:
0x0: {  	(pc) =	sbr.rel $0x88, $3  }
0x1: {  	(tag) =	ssettag $0x0;
	lr =	simm.s32 $0x1  }
0x2: {  	[smem:$0x3F9D] =	sst lr;
	_ =	strace $0xD0000000  }
0x3: {  	_ = 	snop  }
0x4: {  	_ = 	snop  }
0x5: {  	_ = 	snop  }
0x6: {  	_ = 	snop  }
0x7: {  	_ = 	snop  }
__scs_overlays_trampoline_lowered:
0x8: {  	[smem:$0x3FAC] =	sst s0  }
0x9: {  	[smem:$0x3FAD] =	sst s1  }
0xa: {  	[smem:$0x3FAE] =	sst s2  }
0xb: {  	[smem:$0x3FAF] =	sst s3  }
0xc: {  	[smem:$0x3FB0] =	sst s4  }
0xd: {  	[smem:$0x3FB1] =	sst s5  }
0xe: {  	[smem:$0x3FB2] =	sst s6  }
0xf: {  	[smem:$0x3FB3] =	sst s7  }
0x10: {  	[smem:$0x3FB4] =	sst s8  }
0x11: {  	[smem:$0x3FB5] =	sst s9;
	s0 =	simm.s32 @!p0 $0x0  }
0x12: {  	s1 =	sld [smem:$0x3F9B];
	s0 =	simm.s32 @p0 $0x1  }
0x13: {  	[smem:$0x3FB6] =	sst s0;
	s0 =	simm.s32 @!p1 $0x0  }
0x14: {  	s2 =	sld [smem:$0x3F9A];
	s0 =	simm.s32 @p1 $0x1  }
0x15: {  	[smem:$0x3FB7] =	sst s0;
	s0 =	simm.s32 @!p2 $0x0  }
0x16: {  	s3 =	sld [smem:$0x3FDB];
	s0 =	simm.s32 @p2 $0x1  }
0x17: {  	s4 =	simm.s32 $0x1BF5;
	[smem:$0x3FB9] =	sst s0  }
0x18: {  	s0 =	sld [smem:$0x3F9C];
	_ =	swait.ge [sflag:s4], $0x0  }
0x19: {  	s7 =	sld [smem:$0x3F9D]  }
0x1a: {  	s8 =	sadd.s32 $0xFFFFE003, lr  }
0x1b: {  	s9 =	sadd.s32 $0xFFFFFEF7, lr;
	s5 =	simm.s32 $0xFFFFFFFF;
	p2 =	slt.u32 s8, $0xFFFFF086  }
0x1c: {  	p1 =	slt.u32 s9, $0xF7A;
	s5 =	simm.s32 @!p2 $0x0  }
0x1d: {  	s5 =	simm.s32 @p1 $0x1;
	p0 =	seq.s32 s7, s2  }
0x1e: {  	s7 =	smul.u32 @!p0 $0xF7A, s2;
	p2 =	seq.s32 @!p0 s5, $0x0  }
0x1f: {  	s9 =	smul.u32 $0xF7A, s1;
	s8 =	simm.s32 @!p0 $0x1BF5;
	p2 =	por !p2, p0  }
0x20: {  	[sflag:s8] =	ssyncset.s32 @!p0 $0xFFFFF086;
	s6 =	sadd.s32 @!p0 s3, s7;
	s7 =	simm.s32 @!p0 $0x108  }
0x21: {  	s3 =	sadd.s32 s3, s9;
	s6 =	sadd.s32 @!p0 $0x88, s6;
	s7 =	simm.s32 @p2 $0x1082  }
0x22: {  	[simem:s7], [sflag:s8] =	dma.local @!p0 [hbm:s6], $0xF7A  }
0x23: {  	s9 =	sor.u32 $0xD0000000, s2;
	s6 =	simm.s32 $0x108;
	_ =	swait.ge @!p0 [sflag:s8], $0x0  }
0x24: {  	s3 =	sadd.s32 $0x88, s3;
	s6 =	simm.s32 @!p1 $0x1082;
	[sflag:s4] =	ssyncset.s32 $0xFFFFF086  }
0x25: {  	[simem:s6], [sflag:s4] =	dma.local [hbm:s3], $0xF7A  }
0x26: {  	[smem:$0x3F9D] =	sst s1;
	(tag) =	ssettag s2;
	_ =	strace s9  }
0x27: {  	s1 =	sld [smem:$0x3FAD]  }
0x28: {  	s2 =	sld [smem:$0x3FAE]  }
0x29: {  	s4 =	sld [smem:$0x3FB0]  }
0x2a: {  	p0 =	seq.s32 s5, $0x0;
	s5 =	sld [smem:$0x3FB1]  }
0x2b: {  	s6 =	sld [smem:$0x3FB2]  }
0x2c: {  	s7 =	sld [smem:$0x3FB3]  }
0x2d: {  	s3 =	simm.s32 $0x108;
	s8 =	sld [smem:$0x3FB4]  }
0x2e: {  	s3 =	simm.s32 @!p0 $0x1082;
	s9 =	sld [smem:$0x3FB5]  }
0x2f: {  	lr =	sadd.s32 s0, s3;
	s0 =	sld [smem:$0x3FAC]  }
0x30: {  	s3 =	sld [smem:$0x3FAF]  }
0x31: {  	[smem:$0x3FB8] =	sst s10  }
0x32: {  	s10 =	sld [smem:$0x3FB6];
	_ =	sdelay $0x3  }
0x33: {  	p0 =	seq.s32 s10, $0x1;
	s10 =	sld [smem:$0x3FB8];
	_ =	sdelay $0x3  }
0x34: {  	[smem:$0x3FB8] =	sst s10  }
0x35: {  	s10 =	sld [smem:$0x3FB7];
	_ =	sdelay $0x3  }
0x36: {  	p1 =	seq.s32 s10, $0x1;
	s10 =	sld [smem:$0x3FB8];
	_ =	sdelay $0x3  }
0x37: {  	[smem:$0x3FB8] =	sst s10  }
0x38: {  	s10 =	sld [smem:$0x3FB9]  }
0x39: {  	_ = 	snop;
	(pc) =	sbr.ind lr, $3  }
0x3a: {  	_ = 	snop  }
0x3b: {  	_ = 	snop  }
0x3c: {  	p2 =	seq.s32 s10, $0x1;
	s10 =	sld [smem:$0x3FB8]  }
0x3d: {  	_ =	shalt  }
0x3e: {  	_ =	shalt  }
0x3f: {  	_ =	shalt  }
0x40: {  	_ =	shalt  }
0x41: {  	_ =	shalt  }
0x42: {  	_ =	shalt  }
0x43: {  	_ =	shalt  }
0x44: {  	_ =	shalt  }
0x45: {  	_ =	shalt  }
0x46: {  	_ =	shalt  }
0x47: {  	_ =	shalt  }
0x48: {  	_ =	shalt  }
0x49: {  	_ =	shalt  }
0x4a: {  	_ =	shalt  }
0x4b: {  	_ =	shalt  }
0x4c: {  	_ =	shalt  }
0x4d: {  	_ =	shalt  }
0x4e: {  	_ =	shalt  }
0x4f: {  	_ =	shalt  }
0x50: {  	_ =	shalt  }
0x51: {  	_ =	shalt  }
0x52: {  	_ =	shalt  }
0x53: {  	_ =	shalt  }
0x54: {  	_ =	shalt  }
0x55: {  	_ =	shalt  }
0x56: {  	_ =	shalt  }
0x57: {  	_ =	shalt  }
0x58: {  	_ =	shalt  }
0x59: {  	_ =	shalt  }
0x5a: {  	_ =	shalt  }
0x5b: {  	_ =	shalt  }
0x5c: {  	_ =	shalt  }
0x5d: {  	_ =	shalt  }
0x5e: {  	_ =	shalt  }
0x5f: {  	_ =	shalt  }
0x60: {  	_ =	shalt  }
0x61: {  	_ =	shalt  }
0x62: {  	_ =	shalt  }
0x63: {  	_ =	shalt  }
0x64: {  	_ =	shalt  }
0x65: {  	_ =	shalt  }
0x66: {  	_ =	shalt  }
0x67: {  	_ =	shalt  }
0x68: {  	_ =	shalt  }
0x69: {  	_ =	shalt  }
0x6a: {  	_ =	shalt  }
0x6b: {  	_ =	shalt  }
0x6c: {  	_ =	shalt  }
0x6d: {  	_ =	shalt  }
0x6e: {  	_ =	shalt  }
0x6f: {  	_ =	shalt  }
0x70: {  	_ =	shalt  }
0x71: {  	_ =	shalt  }
0x72: {  	_ =	shalt  }
0x73: {  	_ =	shalt  }
0x74: {  	_ =	shalt  }
0x75: {  	_ =	shalt  }
0x76: {  	_ =	shalt  }
0x77: {  	_ =	shalt  }
0x78: {  	_ =	shalt  }
0x79: {  	_ =	shalt  }
0x7a: {  	_ =	shalt  }
0x7b: {  	_ =	shalt  }
0x7c: {  	_ =	shalt  }
0x7d: {  	_ =	shalt  }
0x7e: {  	_ =	shalt  }
0x7f: {  	_ =	shalt  }
0x80: {  	_ =	shalt  }
0x81: {  	_ =	shalt  }
0x82: {  	_ =	shalt  }
0x83: {  	_ =	shalt  }
0x84: {  	_ =	shalt  }
0x85: {  	_ =	shalt  }
0x86: {  	_ =	shalt  }
0x87: {  	_ =	shalt  }
.Lfunc_end0:
.L_simem_size_0:
called_computation_lowered:
.L_overlay_start_0:
0x88: {  	s2 =	sld [smem:$0x3FD9]  }
0x89: {  	s3 =	sld [smem:$0x3FFE];
	_ =	sdelay $0x1  }
0x8a: {  	s1 =	srdreg.scid  }
0x8b: {  	s0 =	sand.u32 $0x1, s1  }
0x8c: {  	s16 =	sshll.u32 s0, $0xA;
	s2 =	sadd.s32 s3, s2  }
0x8d: {  	s2 =	sadd.s32 s2, s16  }
0x8e: {  	[smem:$0x3FC4] =	sst s2  }
0x8f: {  	_ = 	snop  }
0x90: {  	(tm) =	ssettm $0x1  }
0x91: {  	s17 =	sld [smem:$0x3FFB];
	_ =	sdelay $0x3  }
0x92: {  	_ =	strace s17  }
0x93: {  	s2 =	sld [smem:$0x3FFC];
	_ =	sdelay $0x3  }
0x94: {  	_ =	strace s2  }
0x95: {  	s2 =	sld [smem:$0x3FFD];
	_ =	sdelay $0x3  }
0x96: {  	_ =	strace s2  }
0x97: {  	_ =	strace $0x8FFFFFFF  }
0x98: {  	s18 =	sld [smem:$0x3FDB];
	_ =	sdelay $0x1  }
0x99: {  	s19 =	simm.s32 $_scs_section_size  }
0x9a: {  	s4 =	simm.s32 $_size__tile_overlayer_lowered;
	s5 =	simm.s32 $_tile_overlayer_lowered  }
0x9b: {  	s22 =	simm.s32 $0x1BFF;
	s21 =	sshll.u32 s5, $0x1;
	s2 =	sadd.s32 s19, s18  }
0x9c: {  	s6 =	simm.s32 $0x0;
	s20 =	sshll.u32 s4, $0x1;
	s4 =	sadd.s32 s21, s2  }
0x9d: {  	[timem:s6], [sflag:s22] =	dma.local [hbm:s4], s20  }
0x9e: {  	_ =	swait.ge [sflag:s22], s20  }
0x9f: {  	s3 =	ssub.s32 $0x0, s20;
	[sflag:s22] =	ssyncset.done $0x0  }
0xa0: {  	[sflag:s22] =	ssyncadd.s32 s3;
	_ =	sdelay $0x1  }
0xa1: {  	s23 =	simm.s32 $0x1B8B  }
0xa2: {  	_ =	swait.ge [sflag:s23], $0x1  }
0xa3: {  	[sflag:s23] =	ssyncset.done $0x0  }
0xa4: {  	s25 =	simm.s32 $0x1B8E;
	s24 =	sld [smem:$0x3FFE];
	[sflag:s23] =	ssyncadd.s32 $0xFFFFFFFF  }
0xa5: {  	s26 =	simm.s32 $execute0_lowered;
	[smem:$0x3FD2] =	sst s25  }
0xa6: {  	s4 =	sshll.u32 s26, $0x1;
	_ =	strace $0x80000046;
	[dreg:$0x1] =	wrdreg $0xFFFFFFFF  }
0xa7: {  	s28 =	simm.s32 $_size_execute0_lowered;
	s2 =	sadd.s32 s2, s4;
	[dreg:$0x0] =	wrdreg $0x0  }
0xa8: {  	s4 =	sshll.u32 s28, $0x1;
	[dreg:$0x2] =	wrdreg s2  }
0xa9: {  	[dreg:$0x3] =	wrdreg s4  }
0xaa: {  	[dreg:$0x4] =	wrdreg $0xC0  }
0xab: {  	_ =	task [dreg:s6], $0x5FFFF  }
0xac: {  	[dreg:$0x1] =	wrdreg $0xFFFFFFFF  }
0xad: {  	[dreg:$0x0] =	wrdreg $0x60  }
0xae: {  	[dreg:$0x2] =	wrdreg s24  }
0xaf: {  	[dreg:$0x3] =	wrdreg $0x9  }
0xb0: {  	_ =	task.clear_ibuf [dreg:s6], $0x4FFFF;
	_ =	strace $0x90000046  }
0xb1: {  	s29 =	simm.s32 $0x9;
	_ =	strace $0x80000048  }
0xb2: {  	_ =	swait.ge [sflag:s29], $0x1  }
0xb3: {  	[sflag:s29] =	ssyncadd.s32 $0xFFFFFFFF  }
0xb4: {  	_ =	strace $0x90000048  }
0xb5: {  	_ =	sfence  }
0xb6: {  	s30 =	sld [smem:$0x0];
	_ =	sdelay $0x2  }
0xb7: {  	s31 =	sshll.u32 s1, $0xD;
	s1 =	sshrl.u32 s1, $0x2  }
0xb8: {  	s3 =	sand.u32 $0x4000, s31;
	s1 =	sadd.s32 s1, s30  }
0xb9: {  	s0 =	sor.u32 s3, s0;
	s1 =	sshll.u32 s1, $0x11  }
0xba: {  	s0 =	sor.u32 s1, s0  }
0xbb: {  	s0 =	sadd.s32 $0x8F2B, s0  }
0xbc: {  	[sflag:s0] =	ssyncadd.remote.s32 $0x1  }
0xbd: {  	_ =	sfence.sel $0xFFFF  }
0xbe: {  	[dreg:$0x0] =	wrdreg $0xFFFFFFFF;
	(pc) =	sbr.abs _section_cstart, $3  }
0xbf: {  	[dreg:$0x1] =	wrdreg $0xFFFFFFFF  }
0xc0: {  	_ =	task.clear_ibuf [dreg:s6], $0x2FFFF;
	_ =	strace $0x9FFFFFFF  }
0xc1: {  	(tm) =	ssettm $0x7FFFFFFF  }
tec
execute0_lowered:
.L_overlay_start_1:
0x0: {  	(tag) =	ssettag $0x1  }
0x1: {  	s3 =	rddreg [dreg:$0x0]  }
0x2: {  	s0 =	rddreg [dreg:$0x1];
	s1 =	simm.s32 $0x0  }
0x3: {  	s2 =	srdreg.scid;
	s9 =	simm.s32 $0x1;
	s10 =	simm.s32 $0x18800  }
.Ltmp0:
0x4: {  	s11 =	simm.s32 $0x1A800;
	s2 =	sand.u32 $0x1, s2;
	(pc) =	sbr.rel .LBB2_1-.Ltmp0, $4  }
0x5: {  	s12 =	simm.s32 $0x0;
	[smem:$0x7FF] =	sst s1;
	s7 =	ssub.s32 $0x2, s2  }
0x6: {  	s4 =	sadd.s32 $0x1000, s3;
	s5 =	sadd.s32 $0xE000, s3;
	s8 =	sshrl.u32 s7, $0x1  }
0x7: {  	s6 =	sadd.s32 $0x112600, s3;
	s3 =	stileid.u32;
	s8 =	ssub.s32 s7, s8  }
0x8: {  	_ =	strace $0x80000047;
	s7 =	sshll.u32 s3, $0x1;
	s8 =	smax.u32 s8, $0x1  }
.LBB2_9:
0x9: {  	s12 =	sadd.s32 $0x1, s12  }
0xa: {  	p0 =	sne.s32 s12, s8  }
.Ltmp1:
0xb: {  	_ = 	snop;
	(pc) =	sbr.rel @!p0 .LBB2_10-.Ltmp1, $1  }
0xc: {  	_ =	sdelay $0x3  }
.LBB2_1:
.Ltmp2:
0xd: {  	(pc) =	sbr.rel .LBB2_2-.Ltmp2, $2  }
0xe: {  	_ =	sdelay $0x2  }
0xf: {  	s13 =	simm.s32 $0x0  }
.LBB2_8:
0x10: {  	s13 =	sadd.s32 $0x1, s13  }
0x11: {  	p0 =	sne.s32 s13, $0x3  }
.Ltmp3:
0x12: {  	_ = 	snop;
	(pc) =	sbr.rel @!p0 .LBB2_9-.Ltmp3, $1  }
0x13: {  	_ =	sdelay $0x3  }
.LBB2_2:
0x14: {  	s14 =	sshll.u32 s13, $0x5  }
0x15: {  	s14 =	sor.u32 s14, s7  }
0x16: {  	s14 =	sor.u32 s2, s14  }
0x17: {  	p0 =	sgt.u32 s14, $0x54  }
.Ltmp4:
0x18: {  	_ = 	snop;
	(pc) =	sbr.rel @p0 .LBB2_8-.Ltmp4, $1  }
0x19: {  	_ =	sdelay $0x3  }
0x1a: {  	s15 =	smul.u32 $0xCD, s14;
	_ =	sdelay $0x1  }
0x1b: {  	s15 =	sshrl.u32 s15, $0xA  }
0x1c: {  	s15 =	sand.u32 $0x3F, s15  }
0x1d: {  	s16 =	smul.u32 $0x5, s15;
	_ =	sdelay $0x1  }
0x1e: {  	s29 =	ssub.s32 s14, s16  }
0x1f: {  	s30 =	smul.u32 $0x7A800, s15;
	s16 =	sand.u32 $0xFF, s29  }
0x20: {  	s17 =	smul.u32 $0x18800, s16;
	_ =	sdelay $0x1  }
0x21: {  	s14 =	sadd.s32 s17, s30  }
0x22: {  	s14 =	sshrl.u32 s14, $0x3  }
0x23: {  	s14 =	sadd.s32 s5, s14  }
0x24: {  	[tilespmem:s1], [sflag:$0x1] =	stream.linear.gather [hbm4b:s14+s1], $0x18800, $0x38;
	[tilespmem:$0x1C800] =	vst v63  }
0x25: {  	_ =	swait.ge [sflag:s9], $0x18800  }
0x26: {  	s31 =	sshll.u32 s15, $0xB;
	[sflag:s9] =	ssyncset.done $0x0  }
0x27: {  	s15 =	smul.u32 $0x14000, s15;
	s14 =	sadd.s32 s4, s31;
	[sflag:s9] =	ssyncadd.s32 $0xFFFE7800  }
0x28: {  	[tilespmem:s10], [sflag:$0x1] =	stream.linear.gather [hbm4b:s14+s1], $0x2000, $0x38;
	[tilespmem:$0x1C800] =	vst v63  }
0x29: {  	s16 =	sshll.u32 s16, $0xE;
	_ =	swait.ge [sflag:s9], $0x2000  }
0x2a: {  	s18 =	simm.s32 $0x1A840;
	s15 =	sadd.s32 s16, s15;
	[sflag:s9] =	ssyncset.done $0x0  }
0x2b: {  	s16 =	simm.s32 $0xFFFFFFF8;
	s17 =	simm.s32 $0x18840;
	[sflag:s9] =	ssyncadd.s32 $0xFFFFE000  }
.LBB2_4:
0x2c: {  	v0 =	vld [tilespmem:s17+$0xFFFFFFC0];
	_ =	sdelay $0x7  }
0x2d: {  	v0 =	vld.idx.msk [tilespmem:v0+s1+$0x0], $0xffff;
	_ =	sdelay $0x4  }
0x2e: {  	[tilespmem:s18+$0xFFFFFFC0] =	vst v0  }
0x2f: {  	v0 =	vld [tilespmem:s17+$0xFFFFFFD0];
	_ =	sdelay $0x7  }
0x30: {  	v0 =	vld.idx.msk [tilespmem:v0+s1+$0x0], $0xffff;
	_ =	sdelay $0x4  }
0x31: {  	[tilespmem:s18+$0xFFFFFFD0] =	vst v0  }
0x32: {  	v0 =	vld [tilespmem:s17+$0xFFFFFFE0];
	_ =	sdelay $0x7  }
0x33: {  	v0 =	vld.idx.msk [tilespmem:v0+s1+$0x0], $0xffff;
	_ =	sdelay $0x4  }
0x34: {  	[tilespmem:s18+$0xFFFFFFE0] =	vst v0  }
0x35: {  	v0 =	vld [tilespmem:s17+$0xFFFFFFF0];
	_ =	sdelay $0x7  }
0x36: {  	v0 =	vld.idx.msk [tilespmem:v0+s1+$0x0], $0xffff;
	_ =	sdelay $0x4  }
0x37: {  	[tilespmem:s18+$0xFFFFFFF0] =	vst v0  }
0x38: {  	v0 =	vld [tilespmem:s17+$0x0];
	_ =	sdelay $0x7  }
0x39: {  	v0 =	vld.idx.msk [tilespmem:v0+s1+$0x0], $0xffff;
	_ =	sdelay $0x4  }
0x3a: {  	[tilespmem:s18+$0x0] =	vst v0  }
0x3b: {  	v0 =	vld [tilespmem:s17+$0x10];
	_ =	sdelay $0x7  }
0x3c: {  	v0 =	vld.idx.msk [tilespmem:v0+s1+$0x0], $0xffff;
	_ =	sdelay $0x4  }
0x3d: {  	[tilespmem:s18+$0x10] =	vst v0  }
0x3e: {  	v0 =	vld [tilespmem:s17+$0x20];
	_ =	sdelay $0x7  }
0x3f: {  	v0 =	vld.idx.msk [tilespmem:v0+s1+$0x0], $0xffff;
	_ =	sdelay $0x4  }
0x40: {  	[tilespmem:s18+$0x20] =	vst v0  }
0x41: {  	v0 =	vld [tilespmem:s17+$0x30];
	_ =	sdelay $0x6  }
0x42: {  	s16 =	sadd.s32 $0x8, s16  }
0x43: {  	p0 =	slt.u32 s16, $0x1F8;
	v0 =	vld.idx.msk [tilespmem:v0+s1+$0x0], $0xffff  }
.Ltmp5:
0x44: {  	_ = 	snop;
	(pc) =	sbr.rel @p0 .LBB2_4-.Ltmp5, $2  }
0x45: {  	_ =	sdelay $0x2  }
0x46: {  	s17 =	sadd.s32 $0x80, s17;
	[tilespmem:s18+$0x30] =	vst v0;
	s18 =	sadd.s32 $0x80, s18  }
0x47: {  	s15 =	sshrl.u32 s15, $0x3  }
0x48: {  	s16 =	sadd.s32 s6, s15  }
0x49: {  	[hbm4b:s16+s1] =	stream.linear.scatter [tilespmem:s11], [sflag:$0x1], $0x2000, $0x38;
	[tilespmem:$0x1C800] =	vst v63  }
0x4a: {  	_ =	swait.ge [sflag:s9], $0x2000  }
0x4b: {  	[sflag:s9] =	ssyncset.done $0x0  }
0x4c: {  	s14 =	sadd.s32 $0x400, s14;
	[sflag:s9] =	ssyncadd.s32 $0xFFFFE000  }
0x4d: {  	[tilespmem:s10], [sflag:$0x1] =	stream.linear.gather [hbm4b:s14+s1], $0x2000, $0x38;
	[tilespmem:$0x1C800] =	vst v63  }
0x4e: {  	_ =	swait.ge [sflag:s9], $0x2000  }
0x4f: {  	s17 =	simm.s32 $0x1A840;
	[sflag:s9] =	ssyncset.done $0x0  }
0x50: {  	s16 =	simm.s32 $0x18840;
	s14 =	simm.s32 $0xFFFFFFF8;
	[sflag:s9] =	ssyncadd.s32 $0xFFFFE000  }
.LBB2_6:
0x51: {  	v0 =	vld [tilespmem:s16+$0xFFFFFFC0];
	_ =	sdelay $0x7  }
0x52: {  	v0 =	vld.idx.msk [tilespmem:v0+s1+$0x0], $0xffff;
	_ =	sdelay $0x4  }
0x53: {  	[tilespmem:s17+$0xFFFFFFC0] =	vst v0  }
0x54: {  	v0 =	vld [tilespmem:s16+$0xFFFFFFD0];
	_ =	sdelay $0x7  }
0x55: {  	v0 =	vld.idx.msk [tilespmem:v0+s1+$0x0], $0xffff;
	_ =	sdelay $0x4  }
0x56: {  	[tilespmem:s17+$0xFFFFFFD0] =	vst v0  }
0x57: {  	v0 =	vld [tilespmem:s16+$0xFFFFFFE0];
	_ =	sdelay $0x7  }
0x58: {  	v0 =	vld.idx.msk [tilespmem:v0+s1+$0x0], $0xffff;
	_ =	sdelay $0x4  }
0x59: {  	[tilespmem:s17+$0xFFFFFFE0] =	vst v0  }
0x5a: {  	v0 =	vld [tilespmem:s16+$0xFFFFFFF0];
	_ =	sdelay $0x7  }
0x5b: {  	v0 =	vld.idx.msk [tilespmem:v0+s1+$0x0], $0xffff;
	_ =	sdelay $0x4  }
0x5c: {  	[tilespmem:s17+$0xFFFFFFF0] =	vst v0  }
0x5d: {  	v0 =	vld [tilespmem:s16+$0x0];
	_ =	sdelay $0x7  }
0x5e: {  	v0 =	vld.idx.msk [tilespmem:v0+s1+$0x0], $0xffff;
	_ =	sdelay $0x4  }
0x5f: {  	[tilespmem:s17+$0x0] =	vst v0  }
0x60: {  	v0 =	vld [tilespmem:s16+$0x10];
	_ =	sdelay $0x7  }
0x61: {  	v0 =	vld.idx.msk [tilespmem:v0+s1+$0x0], $0xffff;
	_ =	sdelay $0x4  }
0x62: {  	[tilespmem:s17+$0x10] =	vst v0  }
0x63: {  	v0 =	vld [tilespmem:s16+$0x20];
	_ =	sdelay $0x7  }
0x64: {  	v0 =	vld.idx.msk [tilespmem:v0+s1+$0x0], $0xffff;
	_ =	sdelay $0x4  }
0x65: {  	[tilespmem:s17+$0x20] =	vst v0  }
0x66: {  	v0 =	vld [tilespmem:s16+$0x30];
	_ =	sdelay $0x6  }
0x67: {  	s14 =	sadd.s32 $0x8, s14  }
0x68: {  	p0 =	slt.u32 s14, $0x1F8;
	v0 =	vld.idx.msk [tilespmem:v0+s1+$0x0], $0xffff  }
.Ltmp6:
0x69: {  	_ = 	snop;
	(pc) =	sbr.rel @p0 .LBB2_6-.Ltmp6, $2  }
0x6a: {  	_ =	sdelay $0x2  }
0x6b: {  	s16 =	sadd.s32 $0x80, s16;
	[tilespmem:s17+$0x30] =	vst v0;
	s17 =	sadd.s32 $0x80, s17  }
0x6c: {  	s14 =	sadd.s32 s15, s6  }
.Ltmp7:
0x6d: {  	s14 =	sadd.s32 $0x400, s14;
	(pc) =	sbr.rel .LBB2_8-.Ltmp7, $4  }
0x6e: {  	[hbm4b:s14+s1] =	stream.linear.scatter [tilespmem:s11], [sflag:$0x1], $0x2000, $0x38;
	[tilespmem:$0x1C800] =	vst v63  }
0x6f: {  	_ =	swait.ge [sflag:s9], $0x2000  }
0x70: {  	[sflag:s9] =	ssyncset.done $0x0  }
0x71: {  	[sflag:s9] =	ssyncadd.s32 $0xFFFFE000  }
.LBB2_10:
0x72: {  	_ =	sfence.sel $0x180000  }
0x73: {  	[bflag:$0x0] =	sbarrier.arrive $0xFFFF  }
0x74: {  	p0 =	sne.s32 s3, $0x0;
	_ =	strace $0x90000047  }
0x75: {  	s0 =	sadd.s32 @!p0 $0x100000, s0;
	[bflag:$0x2] =	sbarrier.arrive $0xFFFF  }
0x76: {  	[sflag:s0] =	ssyncadd.tile.s32 @!p0 $0x1;
	_ =	shalt  }
.Lfunc_end2:
_tile_overlayer_lowered:
.L_overlay_start_2:
0x77: {  	(tag) =	ssettag $0x2  }
0x78: {  	s0 =	rddreg [dreg:$0x0];
	s2 =	stileid.u32  }
0x79: {  	s1 =	rddreg [dreg:$0x1];
	p0 =	sne.s32 s2, $0x0  }
0x7a: {  	s3 =	rddreg [dreg:$0x2];
	[bflag:$0x3] =	sbarrier.arrive $0xFFFF;
	s2 =	simm.s32 @!p0 $0x1C01  }
0x7b: {  	[timem:s3], [sflag:s2] =	dma.local @!p0 [hbm:s0], s1  }
0x7c: {  	s0 =	simm.s32 @!p0 $0x1  }
0x7d: {  	_ =	swait.ge @!p0 [sflag:s0], s1  }
0x7e: {  	s1 =	ssub.s32 @!p0 $0x0, s1;
	[sflag:s0] =	ssyncset.done @!p0 $0x0  }
0x7f: {  	[sflag:s0] =	ssyncadd.s32 @!p0 s1  }
0x80: {  	[bflag:$0x3] =	sbarrier.arrive $0xFFFF  }
0x81: {  	_ =	shalt  }

</sc_bundles>
